<compile_context>
chip_gen: v7x
topology: tpu7x:2x2x1
jax: 0.10.2.dev20260603
libtpu: 0.0.44.dev20260713+nightly
codegen_flags: <defaults>
</compile_context>

<pallas_src>
import functools

import jax
import jax.numpy as jnp
from jax import lax
from jax.experimental import pallas as pl
from jax.experimental.pallas import tpu as pltpu
from jax.experimental.pallas import tpu_sc as plsc

_SQRT_HALF = 0.7071067811865476
_NC, _NS = 2, 16
_NW = _NC * _NS


def _router_body(x_ref, rw_ref, idx_ref, wn_ref, cnt_ref, aux_ref, pos_ref,
                 items_ref, *, blk, g2):
    x = x_ref[...]
    rw = rw_ref[...]
    n = x.shape[0]
    e = rw.shape[0]
    logits = jax.lax.dot_general(
        x, rw, (((1,), (1,)), ((), ())), preferred_element_type=jnp.float32)
    m = jnp.max(logits, axis=-1, keepdims=True)
    p = jnp.exp(logits - m)
    probs = p / jnp.sum(p, axis=-1, keepdims=True)
    iota = jax.lax.broadcasted_iota(jnp.int32, (n, e), 1)
    m0 = jnp.max(probs, axis=-1, keepdims=True)
    i0 = jnp.min(jnp.where(probs >= m0, iota, e), axis=-1, keepdims=True)
    probs1 = jnp.where(iota == i0, -1.0, probs)
    m1 = jnp.max(probs1, axis=-1, keepdims=True)
    i1 = jnp.min(jnp.where(probs1 >= m1, iota, e), axis=-1, keepdims=True)
    s01 = m0 + m1
    idx_ref[...] = jnp.concatenate([i0, i1], axis=1)
    wn_ref[...] = jnp.concatenate([m0 / s01, m1 / s01], axis=1)
    one_hot = (jnp.where(iota == i0, 1.0, 0.0)
               + jnp.where(iota == i1, 1.0, 0.0))
    cnt = jnp.sum(one_hot, axis=0, keepdims=True)
    cnt_ref[...] = cnt
    f = cnt / (n * 2.0)
    pbar = jnp.mean(probs, axis=0, keepdims=True)
    aux_ref[...] = jnp.sum(e * f * pbar, axis=-1, keepdims=True)
    ri = jax.lax.broadcasted_iota(jnp.int32, (n, n), 0)
    ci = jax.lax.broadcasted_iota(jnp.int32, (n, n), 1)
    tri = jnp.where(ci < ri, 1.0, 0.0)
    csum_excl = jax.lax.dot_general(tri, one_hot, (((1,), (0,)), ((), ())),
                                    precision=jax.lax.Precision.HIGHEST,
                                    preferred_element_type=jnp.float32)
    re = jax.lax.broadcasted_iota(jnp.int32, (e, e), 0)
    ce = jax.lax.broadcasted_iota(jnp.int32, (e, e), 1)
    m8 = jnp.where(re < ce, 1.0, 0.0)
    seg_start = jax.lax.dot_general(cnt, m8, (((1,), (0,)), ((), ())),
                                    precision=jax.lax.Precision.HIGHEST,
                                    preferred_element_type=jnp.float32)
    base = seg_start + csum_excl
    oh0 = jnp.where(iota == i0, 1.0, 0.0)
    p0v = jnp.sum(base * oh0, axis=-1, keepdims=True)
    oh1 = jnp.where(iota == i1, 1.0, 0.0)
    p1v = jnp.sum(base * oh1, axis=-1, keepdims=True)
    pos_ref[...] = jnp.concatenate([p0v, p1v], axis=1).astype(jnp.int32)
    hp = jax.lax.Precision.HIGHEST
    seg_end_f = seg_start + cnt
    nbv = (2 * n) // blk
    npairs = e * nbv
    piota = jax.lax.broadcasted_iota(jnp.int32, (1, npairs), 1)
    b_of_p = (piota % nbv).astype(jnp.float32)
    e_of_p = (piota // nbv).astype(jnp.float32)
    p_bc = jax.lax.broadcasted_iota(jnp.int32, (e, npairs), 1)
    e_bc = jax.lax.broadcasted_iota(jnp.int32, (e, npairs), 0)
    moh = jnp.where(p_bc // nbv == e_bc, 1.0, 0.0)
    dotp = lambda u, v: jax.lax.dot_general(
        u, v, (((1,), (0,)), ((), ())), precision=hp,
        preferred_element_type=jnp.float32)
    ss_p = dotp(seg_start, moh)
    se_p = dotp(seg_end_f, moh)
    ovp = (ss_p < (b_of_p + 1.0) * blk) & (se_p > b_of_p * blk)
    ovf = jnp.where(ovp, 1.0, 0.0)
    rp = jax.lax.broadcasted_iota(jnp.int32, (npairs, npairs), 0)
    cp = jax.lax.broadcasted_iota(jnp.int32, (npairs, npairs), 1)
    rank = dotp(ovf, jnp.where(rp < cp, 1.0, 0.0))
    ones_g = jnp.ones((1, g2), jnp.float32)
    outer = lambda u: jax.lax.dot_general(
        u, ones_g, (((0,), (0,)), ((), ())), precision=hp,
        preferred_element_type=jnp.float32)
    jio = jax.lax.broadcasted_iota(jnp.int32, (npairs, g2), 1)
    sel = jnp.where((outer(rank) == jio.astype(jnp.float32))
                    & (outer(ovf) > 0.5), 1.0, 0.0)
    n_act = jnp.sum(ovf, axis=-1, keepdims=True)
    lastoh = jnp.where(rank == n_act - 1.0, ovf, 0.0)
    jg = jax.lax.broadcasted_iota(jnp.int32, (1, g2), 1).astype(jnp.float32)
    inval = jnp.where(jg >= n_act, 1.0, 0.0)
    sel_al = sel + jax.lax.dot_general(
        lastoh, inval, (((0,), (0,)), ((), ())), precision=hp,
        preferred_element_type=jnp.float32)
    e_sel = dotp(e_of_p, sel_al)
    b_sel = dotp(b_of_p, sel_al)
    ss_sel = dotp(ss_p, sel)
    se_sel = dotp(se_p, sel)
    lo_sel = jnp.clip(ss_sel - b_sel * blk, 0.0, float(blk))
    hi_sel = jnp.clip(se_sel - b_sel * blk, 0.0, float(blk))
    items_ref[...] = jnp.concatenate(
        [e_sel, b_sel, lo_sel, hi_sel], axis=0).astype(jnp.int32)


def _gmm_body(ea_ref, rb_ref, lo_ref, hi_ref, xs_ref, up_ref, down_ref,
              out_ref, *, blk):
    f = pl.program_id(0)
    j = pl.program_id(1)

    @pl.when((f == 0) & (j == 0))
    def _():
        out_ref[...] = jnp.zeros_like(out_ref)

    lo = lo_ref[j]
    hi = hi_ref[j]

    @pl.when(hi > lo)
    def _():
        rb = rb_ref[j]
        xs = xs_ref[...]
        h = jax.lax.dot_general(xs, up_ref[0], (((1,), (0,)), ((), ())),
                                preferred_element_type=jnp.float32)
        h = 0.5 * h * (1.0 + jax.lax.erf(h * _SQRT_HALF))
        riota = jax.lax.broadcasted_iota(jnp.int32, (blk, 1), 0)
        wm = jnp.where((riota >= lo) & (riota < hi), 1.0, 0.0)
        h = h * wm
        y = jax.lax.dot_general(h, down_ref[0], (((1,), (0,)), ((), ())),
                                preferred_element_type=jnp.float32)
        out_ref[pl.ds(rb * blk, blk), :] += y


def _sc_scatter_rows(flat, p0, p1, n_out):
    n, d = flat.shape
    per_w = n // _NW
    ch = min(16, per_w)
    mesh = plsc.VectorSubcoreMesh(core_axis_name="c", subcore_axis_name="s")

    @functools.partial(
        pl.kernel, mesh=mesh,
        out_type=jax.ShapeDtypeStruct((n_out, d), flat.dtype),
        scratch_types=[
            pltpu.VMEM((ch,), jnp.int32),
            pltpu.VMEM((ch, d), flat.dtype),
            pltpu.SemaphoreType.DMA,
        ])
    def k(flat_hbm, p0_hbm, p1_hbm, xs_hbm, idx_v, rows_v, sem):
        wid = lax.axis_index("s") * _NC + lax.axis_index("c")
        base = wid * per_w

        def body(i, carry):
            off = base + i * ch
            pltpu.sync_copy(flat_hbm.at[pl.ds(off, ch)], rows_v)
            pltpu.sync_copy(p0_hbm.at[pl.ds(off, ch)], idx_v)
            pltpu.async_copy(rows_v, xs_hbm.at[idx_v], sem).wait()
            pltpu.sync_copy(p1_hbm.at[pl.ds(off, ch)], idx_v)
            pltpu.async_copy(rows_v, xs_hbm.at[idx_v], sem).wait()
            return carry

        lax.fori_loop(0, per_w // ch, body, 0)

    return k(flat, p0, p1)


def _sc_gather_rows(table, idx):
    n_rows = idx.shape[0]
    d = table.shape[1]
    per_w = n_rows // _NW
    ch = min(32, per_w)
    mesh = plsc.VectorSubcoreMesh(core_axis_name="c", subcore_axis_name="s")

    @functools.partial(
        pl.kernel, mesh=mesh,
        out_type=jax.ShapeDtypeStruct((n_rows, d), table.dtype),
        scratch_types=[
            pltpu.VMEM((ch,), jnp.int32),
            pltpu.VMEM((ch, d), table.dtype),
            pltpu.SemaphoreType.DMA,
        ])
    def k(table_hbm, idx_hbm, out_hbm, idx_v, rows_v, sem):
        wid = lax.axis_index("s") * _NC + lax.axis_index("c")
        base = wid * per_w

        def body(i, carry):
            off = base + i * ch
            pltpu.sync_copy(idx_hbm.at[pl.ds(off, ch)], idx_v)
            pltpu.async_copy(table_hbm.at[idx_v], rows_v, sem).wait()
            pltpu.sync_copy(rows_v, out_hbm.at[pl.ds(off, ch)])
            return carry

        lax.fori_loop(0, per_w // ch, body, 0)

    return k(table, idx)


def _wadd_body(a_ref, b_ref, w_ref, o_ref):
    w = w_ref[...]
    o_ref[...] = a_ref[...] * w[:, 0:1] + b_ref[...] * w[:, 1:2]


def _sc_combine(y, p0, p1, wn):
    n = p0.shape[0]
    d = y.shape[1]
    gath = _sc_gather_rows(y, jnp.concatenate([p0, p1]))
    nb = n // 256
    return pl.pallas_call(
        _wadd_body,
        grid=(nb,),
        in_specs=[
            pl.BlockSpec((256, d), lambda i: (i, 0)),
            pl.BlockSpec((256, d), lambda i, _nb=nb: (i + _nb, 0)),
            pl.BlockSpec((256, 2), lambda i: (i, 0)),
        ],
        out_specs=pl.BlockSpec((256, d), lambda i: (i, 0)),
        out_shape=jax.ShapeDtypeStruct((n, d), y.dtype),
    )(gath, gath, wn)


def kernel(hidden_states, router_w, up_w, down_w):
    b, s, h_dim = hidden_states.shape
    n = b * s
    e = router_w.shape[0]
    ff = up_w.shape[2]
    flat = hidden_states.reshape(n, h_dim)

    a = n * 2
    blk = 512
    nb = a // blk
    g2 = nb + e - 1
    top_idx, top_wn, counts, aux, pos2, items = pl.pallas_call(
        functools.partial(_router_body, blk=blk, g2=g2),
        out_shape=(
            jax.ShapeDtypeStruct((n, 2), jnp.int32),
            jax.ShapeDtypeStruct((n, 2), jnp.float32),
            jax.ShapeDtypeStruct((1, e), jnp.float32),
            jax.ShapeDtypeStruct((1, 1), jnp.float32),
            jax.ShapeDtypeStruct((n, 2), jnp.int32),
            jax.ShapeDtypeStruct((4, g2), jnp.int32),
        ),
    )(flat, router_w)
    aux_loss = aux[0, 0]
    p0 = pos2[:, 0]
    p1 = pos2[:, 1]
    item_e = items[0]
    item_rb = items[1]
    lo_rel = items[2]
    hi_rel = items[3]

    xs = _sc_scatter_rows(flat, p0, p1, a)

    bf = min(512, ff)
    ff_t = ff // bf
    grid_spec = pltpu.PrefetchScalarGridSpec(
        num_scalar_prefetch=4,
        grid=(ff_t, g2),
        in_specs=[
            pl.BlockSpec((blk, h_dim), lambda f, j, ea, rb, lo, hi: (rb[j], 0)),
            pl.BlockSpec((1, h_dim, bf),
                         lambda f, j, ea, rb, lo, hi: (ea[j], 0, f)),
            pl.BlockSpec((1, bf, h_dim),
                         lambda f, j, ea, rb, lo, hi: (ea[j], f, 0)),
        ],
        out_specs=pl.BlockSpec((a, h_dim), lambda f, j, ea, rb, lo, hi: (0, 0)),
    )
    y = pl.pallas_call(
        functools.partial(_gmm_body, blk=blk),
        grid_spec=grid_spec,
        out_shape=jax.ShapeDtypeStruct((a, h_dim), jnp.float32),
        compiler_params=pltpu.CompilerParams(
            dimension_semantics=("arbitrary", "arbitrary"),
            vmem_limit_bytes=63 * 1024 * 1024,
        ),
    )(item_e, item_rb, lo_rel, hi_rel, xs, up_w, down_w)

    out = _sc_combine(y, p0, p1, top_wn)

    return out.reshape(b, s, h_dim), aux_loss

# --- scband reference (transcript-rebuilt; emitter-appended) ---
"""Pipeline reference for scband-plasmid-lmsparse-mo-e-20813411516960 (READ-ONLY COPY).

The authoritative reference and input builder live on the scoring server;
editing this copy changes nothing except your own understanding.
"""

import jax, jax.numpy as jnp
import numpy as np

H, FF, E, TOPK = 2048, 4096, 8, 2

def setup_inputs(seed: int = 0) -> dict:
    key = jax.random.key(seed)
    k1, k2, k3, k4 = jax.random.split(key, 4)
    hidden_states = jax.random.normal(k1, (1, 2048, H), dtype=jnp.float32)
    router_w = jax.random.normal(k2, (E, H), dtype=jnp.float32) * (1.0 / np.sqrt(H))
    up_w = jax.random.normal(k3, (E, H, FF), dtype=jnp.float32) * (1.0 / np.sqrt(H))
    down_w = jax.random.normal(k4, (E, FF, H), dtype=jnp.float32) * (1.0 / np.sqrt(FF))
    return {"hidden_states": hidden_states, "router_w": router_w, "up_w": up_w, "down_w": down_w}


def _moe(hidden_states, router_w, up_w, down_w):
    b, s, h = hidden_states.shape
    n_experts = router_w.shape[0]
    flat = hidden_states.reshape(-1, h)
    n = flat.shape[0]
    # Router: softmax over all experts, then top-k selection (Mixtral-style)
    router_logits = flat @ router_w.T
    router_probs = jax.nn.softmax(router_logits, axis=-1)
    top_w, top_idx = jax.lax.top_k(router_probs, TOPK)
    top_w = top_w / jnp.sum(top_w, axis=-1, keepdims=True)
    rows = jnp.arange(n)[:, None]
    # scatter normalized weights into a dense [n, E] mask (torch scatter_)
    expert_mask = jnp.zeros((n, n_experts), dtype=flat.dtype).at[rows, top_idx].set(top_w)
    # Dense dispatch: all experts on all tokens via batched matmul
    hmid = jnp.einsum('nh,ehf->enf', flat, up_w)
    hmid = jax.nn.gelu(hmid, approximate=False)
    expert_out = jnp.einsum('enf,efh->enh', hmid, down_w)
    output = jnp.einsum('enh,ne->nh', expert_out, expert_mask)
    output = output.reshape(b, s, h)
    # Load-balancing aux loss; f computed under no_grad in torch
    one_hot = jnp.zeros((n, n_experts), dtype=jnp.float32).at[rows, top_idx].set(1.0)
    f = jax.lax.stop_gradient(jnp.sum(one_hot, axis=0) / (n * TOPK))
    P = jnp.mean(router_probs, axis=0)
    aux_loss = n_experts * jnp.sum(f * P)
    return output, aux_loss


def reference(hidden_states, router_w, up_w, down_w):
    return _moe(hidden_states, router_w, up_w, down_w)

if __name__ == "__main__":
    import jax
    _d = setup_inputs()
    print(jax.jit(kernel)(*tuple(_d.values())))

</pallas_src>

<mosaic_0001>
#map = affine_map<(d0, d1) -> (0, 0)>
#map1 = affine_map<(d0, d1) -> (0)>
module attributes {stable_mosaic.version = 14 : i64} {
  func.func @k(%arg0: i32, %arg1: i32, %arg2: memref<2048x2048xf32, #tpu.memory_space<hbm>>, %arg3: memref<2048xi32, #tpu.memory_space<hbm>>, %arg4: memref<2048xi32, #tpu.memory_space<hbm>>, %arg5: memref<4096x2048xf32, #tpu.memory_space<hbm>>, %arg6: memref<16xi32, #tpu.memory_space<vmem>>, %arg7: memref<16x2048xf32, #tpu.memory_space<vmem>>, %arg8: memref<!tpu.dma_semaphore, #tpu.memory_space<semaphore_mem>>) attributes {dimension_semantics = [#tpu.dimension_semantics<core_parallel>, #tpu.dimension_semantics<subcore_parallel>], iteration_bounds = array<i64: 2, 16>, scalar_prefetch = 0 : i64, scratch_operands = 3 : i64, tpu.core_type = #tpu.core_type<sc_vector_subcore>, window_params = [{transform_indices = #map}, {transform_indices = #map1}, {transform_indices = #map1}, {transform_indices = #map}]} {
    %mul3A = arith.constant 2 : i32
    %mul3A_0 = arith.muli %arg1, %mul3A : i32
    %add3A = arith.addi %mul3A_0, %arg0 : i32
    %mul3A_1 = arith.constant 64 : i32
    %mul3A_2 = arith.muli %add3A, %mul3A_1 : i32
    %scan3A = arith.constant 0 : i32
    %scan3A_3 = arith.constant 0 : i32
    %scan3A_4 = arith.constant 4 : i32
    %scan3A_5 = arith.addi %scan3A_3, %scan3A_4 : i32
    %scan3A_6 = arith.constant 1 : i32
    scf.for %scan3A_8 = %scan3A_3 to %scan3A_5 step %scan3A_6  : i32 {
      %mul3A_9 = arith.constant 16 : i32
      %mul3A_10 = arith.muli %scan3A_8, %mul3A_9 : i32
      %add3A_11 = arith.addi %mul3A_2, %mul3A_10 : i32
      "tpu.region"() ({
        %run_scoped3A = tpu.sem_alloc : memref<!tpu.dma_semaphore, #tpu.memory_space<semaphore_mem>>
        %dma_start3A_22 = arith.constant 0 : i32
        %dma_start3A_23 = tpu.memref_slice %arg2[%add3A_11, %dma_start3A_22] : memref<2048x2048xf32, #tpu.memory_space<hbm>> -> memref<16x2048xf32, #tpu.memory_space<hbm>>
        %dma_start3A_24 = arith.constant 0 : i32
        %dma_start3A_25 = tpu.memref_slice %arg2[%add3A_11, %dma_start3A_24] : memref<2048x2048xf32, #tpu.memory_space<hbm>> -> memref<16x2048xf32, #tpu.memory_space<hbm>>
        tpu.enqueue_dma source(%dma_start3A_25 : memref<16x2048xf32, #tpu.memory_space<hbm>>) target(%arg7 : memref<16x2048xf32, #tpu.memory_space<vmem>>) target_semaphore(%run_scoped3A : memref<!tpu.dma_semaphore, #tpu.memory_space<semaphore_mem>>)
        %dma_wait3A_26 = arith.constant 0 : i32
        %dma_wait3A_27 = tpu.memref_slice %arg2[%add3A_11, %dma_wait3A_26] : memref<2048x2048xf32, #tpu.memory_space<hbm>> -> memref<16x2048xf32, #tpu.memory_space<hbm>>
        %dma_wait3A_28 = arith.constant 0 : i32
        %dma_wait3A_29 = tpu.memref_slice %arg2[%add3A_11, %dma_wait3A_28] : memref<2048x2048xf32, #tpu.memory_space<hbm>> -> memref<16x2048xf32, #tpu.memory_space<hbm>>
        tpu.wait_dma2 semaphore(%run_scoped3A : memref<!tpu.dma_semaphore, #tpu.memory_space<semaphore_mem>>) src(%dma_wait3A_29 : memref<16x2048xf32, #tpu.memory_space<hbm>>) dst(%arg7 : memref<16x2048xf32, #tpu.memory_space<vmem>>)
        tpu.yield
      }) : () -> ()
      "tpu.region"() ({
        %run_scoped3A = tpu.sem_alloc : memref<!tpu.dma_semaphore, #tpu.memory_space<semaphore_mem>>
        %dma_start3A_22 = tpu.memref_slice %arg3[%add3A_11] : memref<2048xi32, #tpu.memory_space<hbm>> -> memref<16xi32, #tpu.memory_space<hbm>>
        %dma_start3A_23 = tpu.memref_slice %arg3[%add3A_11] : memref<2048xi32, #tpu.memory_space<hbm>> -> memref<16xi32, #tpu.memory_space<hbm>>
        tpu.enqueue_dma source(%dma_start3A_23 : memref<16xi32, #tpu.memory_space<hbm>>) target(%arg6 : memref<16xi32, #tpu.memory_space<vmem>>) target_semaphore(%run_scoped3A : memref<!tpu.dma_semaphore, #tpu.memory_space<semaphore_mem>>)
        %dma_wait3A_24 = tpu.memref_slice %arg3[%add3A_11] : memref<2048xi32, #tpu.memory_space<hbm>> -> memref<16xi32, #tpu.memory_space<hbm>>
        %dma_wait3A_25 = tpu.memref_slice %arg3[%add3A_11] : memref<2048xi32, #tpu.memory_space<hbm>> -> memref<16xi32, #tpu.memory_space<hbm>>
        tpu.wait_dma2 semaphore(%run_scoped3A : memref<!tpu.dma_semaphore, #tpu.memory_space<semaphore_mem>>) src(%dma_wait3A_25 : memref<16xi32, #tpu.memory_space<hbm>>) dst(%arg6 : memref<16xi32, #tpu.memory_space<vmem>>)
        tpu.yield
      }) : () -> ()
      %dma_start3A = arith.constant 0 : i32
      %dma_start3A_12 = arith.constant 0 : i32
      %dma_start3A_13 = tpu.memref_slice %arg5[%dma_start3A, %dma_start3A_12] : memref<4096x2048xf32, #tpu.memory_space<hbm>> -> memref<4096x2048xf32, #tpu.memory_space<hbm>>
      tpu.enqueue_indirect_dma source(%arg7 : memref<16x2048xf32, #tpu.memory_space<vmem>>) target(%dma_start3A_13 : memref<4096x2048xf32, #tpu.memory_space<hbm>>) offsets(%arg6 : memref<16xi32, #tpu.memory_space<vmem>>) semaphore(%arg8 : memref<!tpu.dma_semaphore, #tpu.memory_space<semaphore_mem>>)
      %dma_wait3A = arith.constant 0 : i32
      %dma_wait3A_14 = arith.constant 0 : i32
      %dma_wait3A_15 = tpu.memref_slice %arg5[%dma_wait3A, %dma_wait3A_14] : memref<4096x2048xf32, #tpu.memory_space<hbm>> -> memref<4096x2048xf32, #tpu.memory_space<hbm>>
      tpu.wait_indirect_dma semaphore(%arg8 : memref<!tpu.dma_semaphore, #tpu.memory_space<semaphore_mem>>) src(%arg7 : memref<16x2048xf32, #tpu.memory_space<vmem>>) dst(%dma_wait3A_15 : memref<4096x2048xf32, #tpu.memory_space<hbm>>)
      "tpu.region"() ({
        %run_scoped3A = tpu.sem_alloc : memref<!tpu.dma_semaphore, #tpu.memory_space<semaphore_mem>>
        %dma_start3A_22 = tpu.memref_slice %arg4[%add3A_11] : memref<2048xi32, #tpu.memory_space<hbm>> -> memref<16xi32, #tpu.memory_space<hbm>>
        %dma_start3A_23 = tpu.memref_slice %arg4[%add3A_11] : memref<2048xi32, #tpu.memory_space<hbm>> -> memref<16xi32, #tpu.memory_space<hbm>>
        tpu.enqueue_dma source(%dma_start3A_23 : memref<16xi32, #tpu.memory_space<hbm>>) target(%arg6 : memref<16xi32, #tpu.memory_space<vmem>>) target_semaphore(%run_scoped3A : memref<!tpu.dma_semaphore, #tpu.memory_space<semaphore_mem>>)
        %dma_wait3A_24 = tpu.memref_slice %arg4[%add3A_11] : memref<2048xi32, #tpu.memory_space<hbm>> -> memref<16xi32, #tpu.memory_space<hbm>>
        %dma_wait3A_25 = tpu.memref_slice %arg4[%add3A_11] : memref<2048xi32, #tpu.memory_space<hbm>> -> memref<16xi32, #tpu.memory_space<hbm>>
        tpu.wait_dma2 semaphore(%run_scoped3A : memref<!tpu.dma_semaphore, #tpu.memory_space<semaphore_mem>>) src(%dma_wait3A_25 : memref<16xi32, #tpu.memory_space<hbm>>) dst(%arg6 : memref<16xi32, #tpu.memory_space<vmem>>)
        tpu.yield
      }) : () -> ()
      %dma_start3A_16 = arith.constant 0 : i32
      %dma_start3A_17 = arith.constant 0 : i32
      %dma_start3A_18 = tpu.memref_slice %arg5[%dma_start3A_16, %dma_start3A_17] : memref<4096x2048xf32, #tpu.memory_space<hbm>> -> memref<4096x2048xf32, #tpu.memory_space<hbm>>
      tpu.enqueue_indirect_dma source(%arg7 : memref<16x2048xf32, #tpu.memory_space<vmem>>) target(%dma_start3A_18 : memref<4096x2048xf32, #tpu.memory_space<hbm>>) offsets(%arg6 : memref<16xi32, #tpu.memory_space<vmem>>) semaphore(%arg8 : memref<!tpu.dma_semaphore, #tpu.memory_space<semaphore_mem>>)
      %dma_wait3A_19 = arith.constant 0 : i32
      %dma_wait3A_20 = arith.constant 0 : i32
      %dma_wait3A_21 = tpu.memref_slice %arg5[%dma_wait3A_19, %dma_wait3A_20] : memref<4096x2048xf32, #tpu.memory_space<hbm>> -> memref<4096x2048xf32, #tpu.memory_space<hbm>>
      tpu.wait_indirect_dma semaphore(%arg8 : memref<!tpu.dma_semaphore, #tpu.memory_space<semaphore_mem>>) src(%arg7 : memref<16x2048xf32, #tpu.memory_space<vmem>>) dst(%dma_wait3A_21 : memref<4096x2048xf32, #tpu.memory_space<hbm>>)
    }
    %scan3A_7 = arith.constant 4 : i32
    return
  }
}

#map = affine_map<(d0, d1) -> (0, 0)>
#map1 = affine_map<(d0, d1) -> (0)>
module attributes {stable_mosaic.version = 14 : i64} {
  func.func @k(%arg0: i32, %arg1: i32, %arg2: memref<4096x2048xf32, #tpu.memory_space<hbm>>, %arg3: memref<4096xi32, #tpu.memory_space<hbm>>, %arg4: memref<4096x2048xf32, #tpu.memory_space<hbm>>, %arg5: memref<32xi32, #tpu.memory_space<vmem>>, %arg6: memref<32x2048xf32, #tpu.memory_space<vmem>>, %arg7: memref<!tpu.dma_semaphore, #tpu.memory_space<semaphore_mem>>) attributes {dimension_semantics = [#tpu.dimension_semantics<core_parallel>, #tpu.dimension_semantics<subcore_parallel>], iteration_bounds = array<i64: 2, 16>, scalar_prefetch = 0 : i64, scratch_operands = 3 : i64, tpu.core_type = #tpu.core_type<sc_vector_subcore>, window_params = [{transform_indices = #map}, {transform_indices = #map1}, {transform_indices = #map}]} {
    %mul3A = arith.constant 2 : i32
    %mul3A_0 = arith.muli %arg1, %mul3A : i32
    %add3A = arith.addi %mul3A_0, %arg0 : i32
    %mul3A_1 = arith.constant 128 : i32
    %mul3A_2 = arith.muli %add3A, %mul3A_1 : i32
    %scan3A = arith.constant 0 : i32
    %scan3A_3 = arith.constant 0 : i32
    %scan3A_4 = arith.constant 4 : i32
    %scan3A_5 = arith.addi %scan3A_3, %scan3A_4 : i32
    %scan3A_6 = arith.constant 1 : i32
    scf.for %scan3A_8 = %scan3A_3 to %scan3A_5 step %scan3A_6  : i32 {
      %mul3A_9 = arith.constant 32 : i32
      %mul3A_10 = arith.muli %scan3A_8, %mul3A_9 : i32
      %add3A_11 = arith.addi %mul3A_2, %mul3A_10 : i32
      "tpu.region"() ({
        %run_scoped3A = tpu.sem_alloc : memref<!tpu.dma_semaphore, #tpu.memory_space<semaphore_mem>>
        %dma_start3A_16 = tpu.memref_slice %arg3[%add3A_11] : memref<4096xi32, #tpu.memory_space<hbm>> -> memref<32xi32, #tpu.memory_space<hbm>>
        %dma_start3A_17 = tpu.memref_slice %arg3[%add3A_11] : memref<4096xi32, #tpu.memory_space<hbm>> -> memref<32xi32, #tpu.memory_space<hbm>>
        tpu.enqueue_dma source(%dma_start3A_17 : memref<32xi32, #tpu.memory_space<hbm>>) target(%arg5 : memref<32xi32, #tpu.memory_space<vmem>>) target_semaphore(%run_scoped3A : memref<!tpu.dma_semaphore, #tpu.memory_space<semaphore_mem>>)
        %dma_wait3A_18 = tpu.memref_slice %arg3[%add3A_11] : memref<4096xi32, #tpu.memory_space<hbm>> -> memref<32xi32, #tpu.memory_space<hbm>>
        %dma_wait3A_19 = tpu.memref_slice %arg3[%add3A_11] : memref<4096xi32, #tpu.memory_space<hbm>> -> memref<32xi32, #tpu.memory_space<hbm>>
        tpu.wait_dma2 semaphore(%run_scoped3A : memref<!tpu.dma_semaphore, #tpu.memory_space<semaphore_mem>>) src(%dma_wait3A_19 : memref<32xi32, #tpu.memory_space<hbm>>) dst(%arg5 : memref<32xi32, #tpu.memory_space<vmem>>)
        tpu.yield
      }) : () -> ()
      %dma_start3A = arith.constant 0 : i32
      %dma_start3A_12 = arith.constant 0 : i32
      %dma_start3A_13 = tpu.memref_slice %arg2[%dma_start3A, %dma_start3A_12] : memref<4096x2048xf32, #tpu.memory_space<hbm>> -> memref<4096x2048xf32, #tpu.memory_space<hbm>>
      tpu.enqueue_indirect_dma source(%dma_start3A_13 : memref<4096x2048xf32, #tpu.memory_space<hbm>>) target(%arg6 : memref<32x2048xf32, #tpu.memory_space<vmem>>) offsets(%arg5 : memref<32xi32, #tpu.memory_space<vmem>>) semaphore(%arg7 : memref<!tpu.dma_semaphore, #tpu.memory_space<semaphore_mem>>)
      %dma_wait3A = arith.constant 0 : i32
      %dma_wait3A_14 = arith.constant 0 : i32
      %dma_wait3A_15 = tpu.memref_slice %arg2[%dma_wait3A, %dma_wait3A_14] : memref<4096x2048xf32, #tpu.memory_space<hbm>> -> memref<4096x2048xf32, #tpu.memory_space<hbm>>
      tpu.wait_indirect_dma semaphore(%arg7 : memref<!tpu.dma_semaphore, #tpu.memory_space<semaphore_mem>>) src(%dma_wait3A_15 : memref<4096x2048xf32, #tpu.memory_space<hbm>>) dst(%arg6 : memref<32x2048xf32, #tpu.memory_space<vmem>>)
      "tpu.region"() ({
        %run_scoped3A = tpu.sem_alloc : memref<!tpu.dma_semaphore, #tpu.memory_space<semaphore_mem>>
        %dma_start3A_16 = arith.constant 0 : i32
        %dma_start3A_17 = tpu.memref_slice %arg4[%add3A_11, %dma_start3A_16] : memref<4096x2048xf32, #tpu.memory_space<hbm>> -> memref<32x2048xf32, #tpu.memory_space<hbm>>
        %dma_start3A_18 = arith.constant 0 : i32
        %dma_start3A_19 = tpu.memref_slice %arg4[%add3A_11, %dma_start3A_18] : memref<4096x2048xf32, #tpu.memory_space<hbm>> -> memref<32x2048xf32, #tpu.memory_space<hbm>>
        tpu.enqueue_dma source(%arg6 : memref<32x2048xf32, #tpu.memory_space<vmem>>) target(%dma_start3A_19 : memref<32x2048xf32, #tpu.memory_space<hbm>>) target_semaphore(%run_scoped3A : memref<!tpu.dma_semaphore, #tpu.memory_space<semaphore_mem>>)
        %dma_wait3A_20 = arith.constant 0 : i32
        %dma_wait3A_21 = tpu.memref_slice %arg4[%add3A_11, %dma_wait3A_20] : memref<4096x2048xf32, #tpu.memory_space<hbm>> -> memref<32x2048xf32, #tpu.memory_space<hbm>>
        %dma_wait3A_22 = arith.constant 0 : i32
        %dma_wait3A_23 = tpu.memref_slice %arg4[%add3A_11, %dma_wait3A_22] : memref<4096x2048xf32, #tpu.memory_space<hbm>> -> memref<32x2048xf32, #tpu.memory_space<hbm>>
        tpu.wait_dma2 semaphore(%run_scoped3A : memref<!tpu.dma_semaphore, #tpu.memory_space<semaphore_mem>>) src(%arg6 : memref<32x2048xf32, #tpu.memory_space<vmem>>) dst(%dma_wait3A_23 : memref<32x2048xf32, #tpu.memory_space<hbm>>)
        tpu.yield
      }) : () -> ()
    }
    %scan3A_7 = arith.constant 4 : i32
    return
  }
}

module attributes {stable_mosaic.version = 14 : i64} {
  func.func @_router_body(%arg0: memref<2048x2048xf32, #tpu.memory_space<vmem>>, %arg1: memref<8x2048xf32, #tpu.memory_space<vmem>>, %arg2: memref<2048x2xi32, #tpu.memory_space<vmem>>, %arg3: memref<2048x2xf32, #tpu.memory_space<vmem>>, %arg4: memref<1x8xf32, #tpu.memory_space<vmem>>, %arg5: memref<1x1xf32, #tpu.memory_space<vmem>>, %arg6: memref<2048x2xi32, #tpu.memory_space<vmem>>, %arg7: memref<4x15xi32, #tpu.memory_space<vmem>>) attributes {dimension_semantics = [], scalar_prefetch = 0 : i64, scratch_operands = 0 : i64, tpu.core_type = #tpu.core_type<tc>} {
    %get3A = arith.constant 0 : index
    %get3A_0 = arith.constant 0 : index
    %get3A_1 = vector.load %arg0[%get3A, %get3A_0] : memref<2048x2048xf32, #tpu.memory_space<vmem>>, vector<2048x2048xf32>
    %get3A_2 = arith.constant 0 : index
    %get3A_3 = arith.constant 0 : index
    %get3A_4 = vector.load %arg1[%get3A_2, %get3A_3] : memref<8x2048xf32, #tpu.memory_space<vmem>>, vector<8x2048xf32>
    %dot_general3A = arith.constant dense<0.000000e+00> : vector<2048x8xf32>
    %dot_general3A_5 = tpu.matmul %get3A_1, %get3A_4, %dot_general3A {dimension_numbers = #tpu.dot_dimension_numbers<[1], [1], [0], [0], [0, 0, 1, 0], [], []>, transpose_lhs_hint = false} : vector<2048x2048xf32>, vector<8x2048xf32>, vector<2048x8xf32> -> vector<2048x8xf32>
    %reduce_max3A = arith.constant dense<0xFF800000> : vector<2048xf32>
    %reduce_max3A_6 = vector.multi_reduction <maximumf>, %dot_general3A_5, %reduce_max3A [1] : vector<2048x8xf32> to vector<2048xf32>
    %broadcast_in_dim3A = vector.shape_cast %reduce_max3A_6 : vector<2048xf32> to vector<2048x1xf32>
    %sub3A = vector.broadcast %broadcast_in_dim3A : vector<2048x1xf32> to vector<2048x8xf32>
    %sub3A_7 = arith.subf %dot_general3A_5, %sub3A : vector<2048x8xf32>
    %exp3A = math.exp %sub3A_7 : vector<2048x8xf32>
    %reduce_sum3A = arith.constant dense<0.000000e+00> : vector<2048xf32>
    %reduce_sum3A_8 = vector.multi_reduction <add>, %exp3A, %reduce_sum3A [1] : vector<2048x8xf32> to vector<2048xf32>
    %broadcast_in_dim3A_9 = vector.shape_cast %reduce_sum3A_8 : vector<2048xf32> to vector<2048x1xf32>
    %div3A = vector.broadcast %broadcast_in_dim3A_9 : vector<2048x1xf32> to vector<2048x8xf32>
    %div3A_10 = arith.divf %exp3A, %div3A : vector<2048x8xf32>
    %iota3A = tpu.iota {dimensions = array<i32: 1>} : vector<2048x8xi32>
    %reduce_max3A_11 = arith.constant dense<0xFF800000> : vector<2048xf32>
    %reduce_max3A_12 = vector.multi_reduction <maximumf>, %div3A_10, %reduce_max3A_11 [1] : vector<2048x8xf32> to vector<2048xf32>
    %broadcast_in_dim3A_13 = vector.shape_cast %reduce_max3A_12 : vector<2048xf32> to vector<2048x1xf32>
    %ge3A = vector.broadcast %broadcast_in_dim3A_13 : vector<2048x1xf32> to vector<2048x8xf32>
    %ge3A_14 = arith.cmpf oge, %div3A_10, %ge3A : vector<2048x8xf32>
    %jit3A = arith.constant 8 : i32
    %broadcast_in_dim3A_15 = vector.broadcast %jit3A : i32 to vector<2048x8xi32>
    %select_n3A = arith.select %ge3A_14, %iota3A, %broadcast_in_dim3A_15 : vector<2048x8xi1>, vector<2048x8xi32>
    %reduce_min3A = arith.constant dense<2147483647> : vector<2048xi32>
    %reduce_min3A_16 = vector.multi_reduction <minsi>, %select_n3A, %reduce_min3A [1] : vector<2048x8xi32> to vector<2048xi32>
    %broadcast_in_dim3A_17 = vector.shape_cast %reduce_min3A_16 : vector<2048xi32> to vector<2048x1xi32>
    %eq3A = vector.broadcast %broadcast_in_dim3A_17 : vector<2048x1xi32> to vector<2048x8xi32>
    %eq3A_18 = arith.cmpi eq, %iota3A, %eq3A : vector<2048x8xi32>
    %jit3A_19 = arith.constant -1.000000e+00 : f32
    %broadcast_in_dim3A_20 = vector.broadcast %jit3A_19 : f32 to vector<2048x8xf32>
    %select_n3A_21 = arith.select %eq3A_18, %broadcast_in_dim3A_20, %div3A_10 : vector<2048x8xi1>, vector<2048x8xf32>
    %reduce_max3A_22 = arith.constant dense<0xFF800000> : vector<2048xf32>
    %reduce_max3A_23 = vector.multi_reduction <maximumf>, %select_n3A_21, %reduce_max3A_22 [1] : vector<2048x8xf32> to vector<2048xf32>
    %broadcast_in_dim3A_24 = vector.shape_cast %reduce_max3A_23 : vector<2048xf32> to vector<2048x1xf32>
    %ge3A_25 = vector.broadcast %broadcast_in_dim3A_24 : vector<2048x1xf32> to vector<2048x8xf32>
    %ge3A_26 = arith.cmpf oge, %select_n3A_21, %ge3A_25 : vector<2048x8xf32>
    %jit3A_27 = arith.constant 8 : i32
    %broadcast_in_dim3A_28 = vector.broadcast %jit3A_27 : i32 to vector<2048x8xi32>
    %select_n3A_29 = arith.select %ge3A_26, %iota3A, %broadcast_in_dim3A_28 : vector<2048x8xi1>, vector<2048x8xi32>
    %reduce_min3A_30 = arith.constant dense<2147483647> : vector<2048xi32>
    %reduce_min3A_31 = vector.multi_reduction <minsi>, %select_n3A_29, %reduce_min3A_30 [1] : vector<2048x8xi32> to vector<2048xi32>
    %broadcast_in_dim3A_32 = vector.shape_cast %reduce_min3A_31 : vector<2048xi32> to vector<2048x1xi32>
    %add3A = arith.addf %broadcast_in_dim3A_13, %broadcast_in_dim3A_24 : vector<2048x1xf32>
    %concatenate3A = tpu.concatenate %broadcast_in_dim3A_17, %broadcast_in_dim3A_32 in 1 : vector<2048x1xi32>, vector<2048x1xi32> -> vector<2048x2xi32>
    %swap3A = arith.constant 0 : index
    %swap3A_33 = arith.constant 0 : index
    %swap3A_34 = vector.load %arg2[%swap3A, %swap3A_33] : memref<2048x2xi32, #tpu.memory_space<vmem>>, vector<2048x2xi32>
    tpu.vector_store %arg2[%swap3A, %swap3A_33], %concatenate3A {strides = array<i32>} : memref<2048x2xi32, #tpu.memory_space<vmem>>, vector<2048x2xi32>,
    %div3A_35 = arith.divf %broadcast_in_dim3A_13, %add3A : vector<2048x1xf32>
    %div3A_36 = arith.divf %broadcast_in_dim3A_24, %add3A : vector<2048x1xf32>
    %concatenate3A_37 = tpu.concatenate %div3A_35, %div3A_36 in 1 : vector<2048x1xf32>, vector<2048x1xf32> -> vector<2048x2xf32>
    %swap3A_38 = arith.constant 0 : index
    %swap3A_39 = arith.constant 0 : index
    %swap3A_40 = vector.load %arg3[%swap3A_38, %swap3A_39] : memref<2048x2xf32, #tpu.memory_space<vmem>>, vector<2048x2xf32>
    tpu.vector_store %arg3[%swap3A_38, %swap3A_39], %concatenate3A_37 {strides = array<i32>} : memref<2048x2xf32, #tpu.memory_space<vmem>>, vector<2048x2xf32>,
    %eq3A_41 = vector.broadcast %broadcast_in_dim3A_17 : vector<2048x1xi32> to vector<2048x8xi32>
    %eq3A_42 = arith.cmpi eq, %iota3A, %eq3A_41 : vector<2048x8xi32>
    %jit3A_43 = arith.constant 1.000000e+00 : f32
    %jit3A_44 = arith.constant 0.000000e+00 : f32
    %broadcast_in_dim3A_45 = vector.broadcast %jit3A_43 : f32 to vector<2048x8xf32>
    %broadcast_in_dim3A_46 = vector.broadcast %jit3A_44 : f32 to vector<2048x8xf32>
    %select_n3A_47 = arith.select %eq3A_42, %broadcast_in_dim3A_45, %broadcast_in_dim3A_46 : vector<2048x8xi1>, vector<2048x8xf32>
    %eq3A_48 = vector.broadcast %broadcast_in_dim3A_32 : vector<2048x1xi32> to vector<2048x8xi32>
    %eq3A_49 = arith.cmpi eq, %iota3A, %eq3A_48 : vector<2048x8xi32>
    %jit3A_50 = arith.constant 1.000000e+00 : f32
    %jit3A_51 = arith.constant 0.000000e+00 : f32
    %broadcast_in_dim3A_52 = vector.broadcast %jit3A_50 : f32 to vector<2048x8xf32>
    %broadcast_in_dim3A_53 = vector.broadcast %jit3A_51 : f32 to vector<2048x8xf32>
    %select_n3A_54 = arith.select %eq3A_49, %broadcast_in_dim3A_52, %broadcast_in_dim3A_53 : vector<2048x8xi1>, vector<2048x8xf32>
    %add3A_55 = arith.addf %select_n3A_47, %select_n3A_54 : vector<2048x8xf32>
    %reduce_sum3A_56 = arith.constant dense<0.000000e+00> : vector<8xf32>
    %reduce_sum3A_57 = vector.multi_reduction <add>, %add3A_55, %reduce_sum3A_56 [0] : vector<2048x8xf32> to vector<8xf32>
    %broadcast_in_dim3A_58 = vector.shape_cast %reduce_sum3A_57 : vector<8xf32> to vector<1x8xf32>
    %swap3A_59 = arith.constant 0 : index
    %swap3A_60 = arith.constant 0 : index
    %swap3A_61 = vector.load %arg4[%swap3A_59, %swap3A_60] : memref<1x8xf32, #tpu.memory_space<vmem>>, vector<1x8xf32>
    tpu.vector_store %arg4[%swap3A_59, %swap3A_60], %broadcast_in_dim3A_58 {strides = array<i32>} : memref<1x8xf32, #tpu.memory_space<vmem>>, vector<1x8xf32>,
    %div3A_62 = arith.constant 4.096000e+03 : f32
    %div3A_63 = vector.broadcast %div3A_62 : f32 to vector<1x8xf32>
    %div3A_64 = arith.divf %broadcast_in_dim3A_58, %div3A_63 : vector<1x8xf32>
    %reduce_sum3A_65 = arith.constant dense<0.000000e+00> : vector<8xf32>
    %reduce_sum3A_66 = vector.multi_reduction <add>, %div3A_10, %reduce_sum3A_65 [0] : vector<2048x8xf32> to vector<8xf32>
    %broadcast_in_dim3A_67 = vector.shape_cast %reduce_sum3A_66 : vector<8xf32> to vector<1x8xf32>
    %div3A_68 = arith.constant 2.048000e+03 : f32
    %div3A_69 = vector.broadcast %div3A_68 : f32 to vector<1x8xf32>
    %div3A_70 = arith.divf %broadcast_in_dim3A_67, %div3A_69 : vector<1x8xf32>
    %mul3A = arith.constant 8.000000e+00 : f32
    %mul3A_71 = vector.broadcast %mul3A : f32 to vector<1x8xf32>
    %mul3A_72 = arith.mulf %mul3A_71, %div3A_64 : vector<1x8xf32>
    %mul3A_73 = arith.mulf %mul3A_72, %div3A_70 : vector<1x8xf32>
    %reduce_sum3A_74 = arith.constant dense<0.000000e+00> : vector<1xf32>
    %reduce_sum3A_75 = vector.multi_reduction <add>, %mul3A_73, %reduce_sum3A_74 [1] : vector<1x8xf32> to vector<1xf32>
    %broadcast_in_dim3A_76 = vector.shape_cast %reduce_sum3A_75 : vector<1xf32> to vector<1x1xf32>
    %swap3A_77 = arith.constant 0 : index
    %swap3A_78 = arith.constant 0 : index
    %swap3A_79 = vector.load %arg5[%swap3A_77, %swap3A_78] : memref<1x1xf32, #tpu.memory_space<vmem>>, vector<1x1xf32>
    tpu.vector_store %arg5[%swap3A_77, %swap3A_78], %broadcast_in_dim3A_76 {strides = array<i32>} : memref<1x1xf32, #tpu.memory_space<vmem>>, vector<1x1xf32>,
    %iota3A_80 = tpu.iota {dimensions = array<i32: 0>} : vector<2048x2048xi32>
    %iota3A_81 = tpu.iota {dimensions = array<i32: 1>} : vector<2048x2048xi32>
    %lt3A = arith.cmpi slt, %iota3A_81, %iota3A_80 : vector<2048x2048xi32>
    %jit3A_82 = arith.constant 1.000000e+00 : f32
    %jit3A_83 = arith.constant 0.000000e+00 : f32
    %broadcast_in_dim3A_84 = vector.broadcast %jit3A_82 : f32 to vector<2048x2048xf32>
    %broadcast_in_dim3A_85 = vector.broadcast %jit3A_83 : f32 to vector<2048x2048xf32>
    %select_n3A_86 = arith.select %lt3A, %broadcast_in_dim3A_84, %broadcast_in_dim3A_85 : vector<2048x2048xi1>, vector<2048x2048xf32>
    %dot_general3A_87 = arith.constant dense<0.000000e+00> : vector<2048x8xf32>
    %dot_general3A_88 = tpu.matmul %select_n3A_86, %add3A_55, %dot_general3A_87 {dimension_numbers = #tpu.dot_dimension_numbers<[1], [0], [0], [1], [0, 0, 1, 1], [], []>, precision = #tpu.contract_precision<fp32>, transpose_lhs_hint = false} : vector<2048x2048xf32>, vector<2048x8xf32>, vector<2048x8xf32> -> vector<2048x8xf32>
    %iota3A_89 = tpu.iota {dimensions = array<i32: 0>} : vector<8x8xi32>
    %iota3A_90 = tpu.iota {dimensions = array<i32: 1>} : vector<8x8xi32>
    %lt3A_91 = arith.cmpi slt, %iota3A_89, %iota3A_90 : vector<8x8xi32>
    %jit3A_92 = arith.constant 1.000000e+00 : f32
    %jit3A_93 = arith.constant 0.000000e+00 : f32
    %broadcast_in_dim3A_94 = vector.broadcast %jit3A_92 : f32 to vector<8x8xf32>
    %broadcast_in_dim3A_95 = vector.broadcast %jit3A_93 : f32 to vector<8x8xf32>
    %select_n3A_96 = arith.select %lt3A_91, %broadcast_in_dim3A_94, %broadcast_in_dim3A_95 : vector<8x8xi1>, vector<8x8xf32>
    %dot_general3A_97 = arith.constant dense<0.000000e+00> : vector<1x8xf32>
    %dot_general3A_98 = tpu.matmul %broadcast_in_dim3A_58, %select_n3A_96, %dot_general3A_97 {dimension_numbers = #tpu.dot_dimension_numbers<[1], [0], [0], [1], [0, 0, 1, 1], [], []>, precision = #tpu.contract_precision<fp32>, transpose_lhs_hint = false} : vector<1x8xf32>, vector<8x8xf32>, vector<1x8xf32> -> vector<1x8xf32>
    %add3A_99 = vector.broadcast %dot_general3A_98 : vector<1x8xf32> to vector<2048x8xf32>
    %add3A_100 = arith.addf %add3A_99, %dot_general3A_88 : vector<2048x8xf32>
    %eq3A_101 = vector.broadcast %broadcast_in_dim3A_17 : vector<2048x1xi32> to vector<2048x8xi32>
    %eq3A_102 = arith.cmpi eq, %iota3A, %eq3A_101 : vector<2048x8xi32>
    %jit3A_103 = arith.constant 1.000000e+00 : f32
    %jit3A_104 = arith.constant 0.000000e+00 : f32
    %broadcast_in_dim3A_105 = vector.broadcast %jit3A_103 : f32 to vector<2048x8xf32>
    %broadcast_in_dim3A_106 = vector.broadcast %jit3A_104 : f32 to vector<2048x8xf32>
    %select_n3A_107 = arith.select %eq3A_102, %broadcast_in_dim3A_105, %broadcast_in_dim3A_106 : vector<2048x8xi1>, vector<2048x8xf32>
    %mul3A_108 = arith.mulf %add3A_100, %select_n3A_107 : vector<2048x8xf32>
    %reduce_sum3A_109 = arith.constant dense<0.000000e+00> : vector<2048xf32>
    %reduce_sum3A_110 = vector.multi_reduction <add>, %mul3A_108, %reduce_sum3A_109 [1] : vector<2048x8xf32> to vector<2048xf32>
    %broadcast_in_dim3A_111 = vector.shape_cast %reduce_sum3A_110 : vector<2048xf32> to vector<2048x1xf32>
    %eq3A_112 = vector.broadcast %broadcast_in_dim3A_32 : vector<2048x1xi32> to vector<2048x8xi32>
    %eq3A_113 = arith.cmpi eq, %iota3A, %eq3A_112 : vector<2048x8xi32>
    %jit3A_114 = arith.constant 1.000000e+00 : f32
    %jit3A_115 = arith.constant 0.000000e+00 : f32
    %broadcast_in_dim3A_116 = vector.broadcast %jit3A_114 : f32 to vector<2048x8xf32>
    %broadcast_in_dim3A_117 = vector.broadcast %jit3A_115 : f32 to vector<2048x8xf32>
    %select_n3A_118 = arith.select %eq3A_113, %broadcast_in_dim3A_116, %broadcast_in_dim3A_117 : vector<2048x8xi1>, vector<2048x8xf32>
    %mul3A_119 = arith.mulf %add3A_100, %select_n3A_118 : vector<2048x8xf32>
    %reduce_sum3A_120 = arith.constant dense<0.000000e+00> : vector<2048xf32>
    %reduce_sum3A_121 = vector.multi_reduction <add>, %mul3A_119, %reduce_sum3A_120 [1] : vector<2048x8xf32> to vector<2048xf32>
    %broadcast_in_dim3A_122 = vector.shape_cast %reduce_sum3A_121 : vector<2048xf32> to vector<2048x1xf32>
    %concatenate3A_123 = tpu.concatenate %broadcast_in_dim3A_111, %broadcast_in_dim3A_122 in 1 : vector<2048x1xf32>, vector<2048x1xf32> -> vector<2048x2xf32>
    %convert_element_type3A = arith.fptosi %concatenate3A_123 : vector<2048x2xf32> to vector<2048x2xi32>
    %swap3A_124 = arith.constant 0 : index
    %swap3A_125 = arith.constant 0 : index
    %swap3A_126 = vector.load %arg6[%swap3A_124, %swap3A_125] : memref<2048x2xi32, #tpu.memory_space<vmem>>, vector<2048x2xi32>
    tpu.vector_store %arg6[%swap3A_124, %swap3A_125], %convert_element_type3A {strides = array<i32>} : memref<2048x2xi32, #tpu.memory_space<vmem>>, vector<2048x2xi32>,
    %add3A_127 = arith.addf %dot_general3A_98, %broadcast_in_dim3A_58 : vector<1x8xf32>
    %iota3A_128 = tpu.iota {dimensions = array<i32: 1>} : vector<1x64xi32>
    %jit3A_129 = arith.constant 8 : i32
    %eq3A_130 = arith.constant 0 : i32
    %eq3A_131 = arith.cmpi eq, %jit3A_129, %eq3A_130 : i32
    %jit3A_132 = arith.constant 1 : i32
    %select_n3A_133 = arith.select %eq3A_131, %jit3A_132, %jit3A_129 : i32
    %rem3A = vector.broadcast %select_n3A_133 : i32 to vector<1x64xi32>
    %rem3A_134 = arith.remsi %iota3A_128, %rem3A : vector<1x64xi32>
    %ne3A = arith.constant 0 : i32
    %ne3A_135 = vector.broadcast %ne3A : i32 to vector<1x64xi32>
    %ne3A_136 = arith.cmpi ne, %rem3A_134, %ne3A_135 : vector<1x64xi32>
    %lt3A_137 = arith.constant 0 : i32
    %lt3A_138 = vector.broadcast %lt3A_137 : i32 to vector<1x64xi32>
    %lt3A_139 = arith.cmpi slt, %rem3A_134, %lt3A_138 : vector<1x64xi32>
    %lt3A_140 = arith.constant 0 : i32
    %lt3A_141 = arith.cmpi slt, %select_n3A_133, %lt3A_140 : i32
    %ne3A_142 = vector.broadcast %lt3A_141 : i1 to vector<1x64xi1>
    %ne3A_143 = vector.broadcast %ne3A_142 : vector<1x64xi1> to vector<1x64xi1>
    %ne3A_144 = arith.xori %lt3A_139, %ne3A_143 : vector<1x64xi1>
    %and3A = arith.andi %ne3A_144, %ne3A_136 : vector<1x64xi1>
    %add3A_145 = vector.broadcast %select_n3A_133 : i32 to vector<1x64xi32>
    %add3A_146 = arith.addi %rem3A_134, %add3A_145 : vector<1x64xi32>
    %select_n3A_147 = arith.select %and3A, %add3A_146, %rem3A_134 : vector<1x64xi1>, vector<1x64xi32>
    %convert_element_type3A_148 = arith.sitofp %select_n3A_147 : vector<1x64xi32> to vector<1x64xf32>
    %jit3A_149 = arith.constant 8 : i32
    %div3A_150 = vector.broadcast %jit3A_149 : i32 to vector<1x64xi32>
    %div3A_151 = arith.divsi %iota3A_128, %div3A_150 : vector<1x64xi32>
    %sign3A = arith.constant 0 : i32
    %sign3A_152 = vector.broadcast %sign3A : i32 to vector<1x64xi32>
    %sign3A_153 = arith.cmpi sgt, %iota3A_128, %sign3A_152 : vector<1x64xi32>
    %sign3A_154 = arith.extui %sign3A_153 : vector<1x64xi1> to vector<1x64xi32>
    %sign3A_155 = arith.constant 0 : i32
    %sign3A_156 = vector.broadcast %sign3A_155 : i32 to vector<1x64xi32>
    %sign3A_157 = arith.cmpi slt, %iota3A_128, %sign3A_156 : vector<1x64xi32>
    %sign3A_158 = arith.extui %sign3A_157 : vector<1x64xi1> to vector<1x64xi32>
    %sign3A_159 = arith.subi %sign3A_154, %sign3A_158 : vector<1x64xi32>
    %sign3A_160 = arith.constant 0 : i32
    %sign3A_161 = arith.cmpi sgt, %jit3A_149, %sign3A_160 : i32
    %sign3A_162 = arith.extui %sign3A_161 : i1 to i32
    %sign3A_163 = arith.constant 0 : i32
    %sign3A_164 = arith.cmpi slt, %jit3A_149, %sign3A_163 : i32
    %sign3A_165 = arith.extui %sign3A_164 : i1 to i32
    %sign3A_166 = arith.subi %sign3A_162, %sign3A_165 : i32
    %ne3A_167 = vector.broadcast %sign3A_166 : i32 to vector<1x64xi32>
    %ne3A_168 = arith.cmpi ne, %sign3A_159, %ne3A_167 : vector<1x64xi32>
    %rem3A_169 = vector.broadcast %jit3A_149 : i32 to vector<1x64xi32>
    %rem3A_170 = arith.remsi %iota3A_128, %rem3A_169 : vector<1x64xi32>
    %ne3A_171 = arith.constant 0 : i32
    %ne3A_172 = vector.broadcast %ne3A_171 : i32 to vector<1x64xi32>
    %ne3A_173 = arith.cmpi ne, %rem3A_170, %ne3A_172 : vector<1x64xi32>
    %and3A_174 = arith.andi %ne3A_168, %ne3A_173 : vector<1x64xi1>
    %sub3A_175 = arith.constant 1 : i32
    %sub3A_176 = vector.broadcast %sub3A_175 : i32 to vector<1x64xi32>
    %sub3A_177 = arith.subi %div3A_151, %sub3A_176 : vector<1x64xi32>
    %select_n3A_178 = arith.select %and3A_174, %sub3A_177, %div3A_151 : vector<1x64xi1>, vector<1x64xi32>
    %convert_element_type3A_179 = arith.sitofp %select_n3A_178 : vector<1x64xi32> to vector<1x64xf32>
    %iota3A_180 = tpu.iota {dimensions = array<i32: 1>} : vector<8x64xi32>
    %iota3A_181 = tpu.iota {dimensions = array<i32: 0>} : vector<8x64xi32>
    %jit3A_182 = arith.constant 8 : i32
    %div3A_183 = vector.broadcast %jit3A_182 : i32 to vector<8x64xi32>
    %div3A_184 = arith.divsi %iota3A_180, %div3A_183 : vector<8x64xi32>
    %sign3A_185 = arith.constant 0 : i32
    %sign3A_186 = vector.broadcast %sign3A_185 : i32 to vector<8x64xi32>
    %sign3A_187 = arith.cmpi sgt, %iota3A_180, %sign3A_186 : vector<8x64xi32>
    %sign3A_188 = arith.extui %sign3A_187 : vector<8x64xi1> to vector<8x64xi32>
    %sign3A_189 = arith.constant 0 : i32
    %sign3A_190 = vector.broadcast %sign3A_189 : i32 to vector<8x64xi32>
    %sign3A_191 = arith.cmpi slt, %iota3A_180, %sign3A_190 : vector<8x64xi32>
    %sign3A_192 = arith.extui %sign3A_191 : vector<8x64xi1> to vector<8x64xi32>
    %sign3A_193 = arith.subi %sign3A_188, %sign3A_192 : vector<8x64xi32>
    %sign3A_194 = arith.constant 0 : i32
    %sign3A_195 = arith.cmpi sgt, %jit3A_182, %sign3A_194 : i32
    %sign3A_196 = arith.extui %sign3A_195 : i1 to i32
    %sign3A_197 = arith.constant 0 : i32
    %sign3A_198 = arith.cmpi slt, %jit3A_182, %sign3A_197 : i32
    %sign3A_199 = arith.extui %sign3A_198 : i1 to i32
    %sign3A_200 = arith.subi %sign3A_196, %sign3A_199 : i32
    %ne3A_201 = vector.broadcast %sign3A_200 : i32 to vector<8x64xi32>
    %ne3A_202 = arith.cmpi ne, %sign3A_193, %ne3A_201 : vector<8x64xi32>
    %rem3A_203 = vector.broadcast %jit3A_182 : i32 to vector<8x64xi32>
    %rem3A_204 = arith.remsi %iota3A_180, %rem3A_203 : vector<8x64xi32>
    %ne3A_205 = arith.constant 0 : i32
    %ne3A_206 = vector.broadcast %ne3A_205 : i32 to vector<8x64xi32>
    %ne3A_207 = arith.cmpi ne, %rem3A_204, %ne3A_206 : vector<8x64xi32>
    %and3A_208 = arith.andi %ne3A_202, %ne3A_207 : vector<8x64xi1>
    %sub3A_209 = arith.constant 1 : i32
    %sub3A_210 = vector.broadcast %sub3A_209 : i32 to vector<8x64xi32>
    %sub3A_211 = arith.subi %div3A_184, %sub3A_210 : vector<8x64xi32>
    %select_n3A_212 = arith.select %and3A_208, %sub3A_211, %div3A_184 : vector<8x64xi1>, vector<8x64xi32>
    %eq3A_213 = arith.cmpi eq, %select_n3A_212, %iota3A_181 : vector<8x64xi32>
    %jit3A_214 = arith.constant 1.000000e+00 : f32
    %jit3A_215 = arith.constant 0.000000e+00 : f32
    %broadcast_in_dim3A_216 = vector.broadcast %jit3A_214 : f32 to vector<8x64xf32>
    %broadcast_in_dim3A_217 = vector.broadcast %jit3A_215 : f32 to vector<8x64xf32>
    %select_n3A_218 = arith.select %eq3A_213, %broadcast_in_dim3A_216, %broadcast_in_dim3A_217 : vector<8x64xi1>, vector<8x64xf32>
    %dot_general3A_219 = arith.constant dense<0.000000e+00> : vector<1x64xf32>
    %dot_general3A_220 = tpu.matmul %dot_general3A_98, %select_n3A_218, %dot_general3A_219 {dimension_numbers = #tpu.dot_dimension_numbers<[1], [0], [0], [1], [0, 0, 1, 1], [], []>, precision = #tpu.contract_precision<fp32>, transpose_lhs_hint = false} : vector<1x8xf32>, vector<8x64xf32>, vector<1x64xf32> -> vector<1x64xf32>
    %dot_general3A_221 = arith.constant dense<0.000000e+00> : vector<1x64xf32>
    %dot_general3A_222 = tpu.matmul %add3A_127, %select_n3A_218, %dot_general3A_221 {dimension_numbers = #tpu.dot_dimension_numbers<[1], [0], [0], [1], [0, 0, 1, 1], [], []>, precision = #tpu.contract_precision<fp32>, transpose_lhs_hint = false} : vector<1x8xf32>, vector<8x64xf32>, vector<1x64xf32> -> vector<1x64xf32>
    %add3A_223 = arith.constant 1.000000e+00 : f32
    %add3A_224 = vector.broadcast %add3A_223 : f32 to vector<1x64xf32>
    %add3A_225 = arith.addf %convert_element_type3A_148, %add3A_224 : vector<1x64xf32>
    %mul3A_226 = arith.constant 5.120000e+02 : f32
    %mul3A_227 = vector.broadcast %mul3A_226 : f32 to vector<1x64xf32>
    %mul3A_228 = arith.mulf %add3A_225, %mul3A_227 : vector<1x64xf32>
    %lt3A_229 = arith.cmpf olt, %dot_general3A_220, %mul3A_228 : vector<1x64xf32>
    %mul3A_230 = arith.constant 5.120000e+02 : f32
    %mul3A_231 = vector.broadcast %mul3A_230 : f32 to vector<1x64xf32>
    %mul3A_232 = arith.mulf %convert_element_type3A_148, %mul3A_231 : vector<1x64xf32>
    %gt3A = arith.cmpf ogt, %dot_general3A_222, %mul3A_232 : vector<1x64xf32>
    %and3A_233 = arith.andi %lt3A_229, %gt3A : vector<1x64xi1>
    %jit3A_234 = arith.constant 1.000000e+00 : f32
    %jit3A_235 = arith.constant 0.000000e+00 : f32
    %broadcast_in_dim3A_236 = vector.broadcast %jit3A_234 : f32 to vector<1x64xf32>
    %broadcast_in_dim3A_237 = vector.broadcast %jit3A_235 : f32 to vector<1x64xf32>
    %select_n3A_238 = arith.select %and3A_233, %broadcast_in_dim3A_236, %broadcast_in_dim3A_237 : vector<1x64xi1>, vector<1x64xf32>
    %iota3A_239 = tpu.iota {dimensions = array<i32: 0>} : vector<64x64xi32>
    %iota3A_240 = tpu.iota {dimensions = array<i32: 1>} : vector<64x64xi32>
    %lt3A_241 = arith.cmpi slt, %iota3A_239, %iota3A_240 : vector<64x64xi32>
    %jit3A_242 = arith.constant 1.000000e+00 : f32
    %jit3A_243 = arith.constant 0.000000e+00 : f32
    %broadcast_in_dim3A_244 = vector.broadcast %jit3A_242 : f32 to vector<64x64xf32>
    %broadcast_in_dim3A_245 = vector.broadcast %jit3A_243 : f32 to vector<64x64xf32>
    %select_n3A_246 = arith.select %lt3A_241, %broadcast_in_dim3A_244, %broadcast_in_dim3A_245 : vector<64x64xi1>, vector<64x64xf32>
    %dot_general3A_247 = arith.constant dense<0.000000e+00> : vector<1x64xf32>
    %dot_general3A_248 = tpu.matmul %select_n3A_238, %select_n3A_246, %dot_general3A_247 {dimension_numbers = #tpu.dot_dimension_numbers<[1], [0], [0], [1], [0, 0, 1, 1], [], []>, precision = #tpu.contract_precision<fp32>, transpose_lhs_hint = false} : vector<1x64xf32>, vector<64x64xf32>, vector<1x64xf32> -> vector<1x64xf32>
    %broadcast_in_dim3A_249 = arith.constant 1.000000e+00 : f32
    %broadcast_in_dim3A_250 = vector.broadcast %broadcast_in_dim3A_249 : f32 to vector<1x15xf32>
    %iota3A_251 = tpu.iota {dimensions = array<i32: 1>} : vector<64x15xi32>
    %dot_general3A_252 = arith.constant dense<0.000000e+00> : vector<64x15xf32>
    %dot_general3A_253 = tpu.matmul %dot_general3A_248, %broadcast_in_dim3A_250, %dot_general3A_252 {dimension_numbers = #tpu.dot_dimension_numbers<[0], [0], [1], [1], [0, 1, 1, 1], [], []>, precision = #tpu.contract_precision<fp32>, transpose_lhs_hint = false} : vector<1x64xf32>, vector<1x15xf32>, vector<64x15xf32> -> vector<64x15xf32>
    %convert_element_type3A_254 = arith.sitofp %iota3A_251 : vector<64x15xi32> to vector<64x15xf32>
    %eq3A_255 = arith.cmpf oeq, %dot_general3A_253, %convert_element_type3A_254 : vector<64x15xf32>
    %dot_general3A_256 = arith.constant dense<0.000000e+00> : vector<64x15xf32>
    %dot_general3A_257 = tpu.matmul %select_n3A_238, %broadcast_in_dim3A_250, %dot_general3A_256 {dimension_numbers = #tpu.dot_dimension_numbers<[0], [0], [1], [1], [0, 1, 1, 1], [], []>, precision = #tpu.contract_precision<fp32>, transpose_lhs_hint = false} : vector<1x64xf32>, vector<1x15xf32>, vector<64x15xf32> -> vector<64x15xf32>
    %gt3A_258 = arith.constant 5.000000e-01 : f32
    %gt3A_259 = vector.broadcast %gt3A_258 : f32 to vector<64x15xf32>
    %gt3A_260 = arith.cmpf ogt, %dot_general3A_257, %gt3A_259 : vector<64x15xf32>
    %and3A_261 = arith.andi %eq3A_255, %gt3A_260 : vector<64x15xi1>
    %jit3A_262 = arith.constant 1.000000e+00 : f32
    %jit3A_263 = arith.constant 0.000000e+00 : f32
    %broadcast_in_dim3A_264 = vector.broadcast %jit3A_262 : f32 to vector<64x15xf32>
    %broadcast_in_dim3A_265 = vector.broadcast %jit3A_263 : f32 to vector<64x15xf32>
    %select_n3A_266 = arith.select %and3A_261, %broadcast_in_dim3A_264, %broadcast_in_dim3A_265 : vector<64x15xi1>, vector<64x15xf32>
    %reduce_sum3A_267 = arith.constant dense<0.000000e+00> : vector<1xf32>
    %reduce_sum3A_268 = vector.multi_reduction <add>, %select_n3A_238, %reduce_sum3A_267 [1] : vector<1x64xf32> to vector<1xf32>
    %broadcast_in_dim3A_269 = vector.shape_cast %reduce_sum3A_268 : vector<1xf32> to vector<1x1xf32>
    %sub3A_270 = arith.constant 1.000000e+00 : f32
    %sub3A_271 = vector.broadcast %sub3A_270 : f32 to vector<1x1xf32>
    %sub3A_272 = arith.subf %broadcast_in_dim3A_269, %sub3A_271 : vector<1x1xf32>
    %eq3A_273 = vector.broadcast %sub3A_272 : vector<1x1xf32> to vector<1x64xf32>
    %eq3A_274 = arith.cmpf oeq, %dot_general3A_248, %eq3A_273 : vector<1x64xf32>
    %jit3A_275 = arith.constant 0.000000e+00 : f32
    %broadcast_in_dim3A_276 = vector.broadcast %jit3A_275 : f32 to vector<1x64xf32>
    %select_n3A_277 = arith.select %eq3A_274, %select_n3A_238, %broadcast_in_dim3A_276 : vector<1x64xi1>, vector<1x64xf32>
    %iota3A_278 = tpu.iota {dimensions = array<i32: 1>} : vector<1x15xi32>
    %convert_element_type3A_279 = arith.sitofp %iota3A_278 : vector<1x15xi32> to vector<1x15xf32>
    %ge3A_280 = vector.broadcast %broadcast_in_dim3A_269 : vector<1x1xf32> to vector<1x15xf32>
    %ge3A_281 = arith.cmpf oge, %convert_element_type3A_279, %ge3A_280 : vector<1x15xf32>
    %jit3A_282 = arith.constant 1.000000e+00 : f32
    %jit3A_283 = arith.constant 0.000000e+00 : f32
    %broadcast_in_dim3A_284 = vector.broadcast %jit3A_282 : f32 to vector<1x15xf32>
    %broadcast_in_dim3A_285 = vector.broadcast %jit3A_283 : f32 to vector<1x15xf32>
    %select_n3A_286 = arith.select %ge3A_281, %broadcast_in_dim3A_284, %broadcast_in_dim3A_285 : vector<1x15xi1>, vector<1x15xf32>
    %dot_general3A_287 = arith.constant dense<0.000000e+00> : vector<64x15xf32>
    %dot_general3A_288 = tpu.matmul %select_n3A_277, %select_n3A_286, %dot_general3A_287 {dimension_numbers = #tpu.dot_dimension_numbers<[0], [0], [1], [1], [0, 1, 1, 1], [], []>, precision = #tpu.contract_precision<fp32>, transpose_lhs_hint = false} : vector<1x64xf32>, vector<1x15xf32>, vector<64x15xf32> -> vector<64x15xf32>
    %add3A_289 = arith.addf %select_n3A_266, %dot_general3A_288 : vector<64x15xf32>
    %dot_general3A_290 = arith.constant dense<0.000000e+00> : vector<1x15xf32>
    %dot_general3A_291 = tpu.matmul %convert_element_type3A_179, %add3A_289, %dot_general3A_290 {dimension_numbers = #tpu.dot_dimension_numbers<[1], [0], [0], [1], [0, 0, 1, 1], [], []>, precision = #tpu.contract_precision<fp32>, transpose_lhs_hint = false} : vector<1x64xf32>, vector<64x15xf32>, vector<1x15xf32> -> vector<1x15xf32>
    %dot_general3A_292 = arith.constant dense<0.000000e+00> : vector<1x15xf32>
    %dot_general3A_293 = tpu.matmul %convert_element_type3A_148, %add3A_289, %dot_general3A_292 {dimension_numbers = #tpu.dot_dimension_numbers<[1], [0], [0], [1], [0, 0, 1, 1], [], []>, precision = #tpu.contract_precision<fp32>, transpose_lhs_hint = false} : vector<1x64xf32>, vector<64x15xf32>, vector<1x15xf32> -> vector<1x15xf32>
    %dot_general3A_294 = arith.constant dense<0.000000e+00> : vector<1x15xf32>
    %dot_general3A_295 = tpu.matmul %dot_general3A_220, %select_n3A_266, %dot_general3A_294 {dimension_numbers = #tpu.dot_dimension_numbers<[1], [0], [0], [1], [0, 0, 1, 1], [], []>, precision = #tpu.contract_precision<fp32>, transpose_lhs_hint = false} : vector<1x64xf32>, vector<64x15xf32>, vector<1x15xf32> -> vector<1x15xf32>
    %dot_general3A_296 = arith.constant dense<0.000000e+00> : vector<1x15xf32>
    %dot_general3A_297 = tpu.matmul %dot_general3A_222, %select_n3A_266, %dot_general3A_296 {dimension_numbers = #tpu.dot_dimension_numbers<[1], [0], [0], [1], [0, 0, 1, 1], [], []>, precision = #tpu.contract_precision<fp32>, transpose_lhs_hint = false} : vector<1x64xf32>, vector<64x15xf32>, vector<1x15xf32> -> vector<1x15xf32>
    %mul3A_298 = arith.constant 5.120000e+02 : f32
    %mul3A_299 = vector.broadcast %mul3A_298 : f32 to vector<1x15xf32>
    %mul3A_300 = arith.mulf %dot_general3A_293, %mul3A_299 : vector<1x15xf32>
    %sub3A_301 = arith.subf %dot_general3A_295, %mul3A_300 : vector<1x15xf32>
    %jit3A_302 = arith.constant 0.000000e+00 : f32
    %jit3A_303 = arith.constant 5.120000e+02 : f32
    %max3A = vector.broadcast %jit3A_302 : f32 to vector<1x15xf32>
    %max3A_304 = arith.maximumf %max3A, %sub3A_301 : vector<1x15xf32>
    %min3A = vector.broadcast %jit3A_303 : f32 to vector<1x15xf32>
    %min3A_305 = arith.minimumf %min3A, %max3A_304 : vector<1x15xf32>
    %mul3A_306 = arith.constant 5.120000e+02 : f32
    %mul3A_307 = vector.broadcast %mul3A_306 : f32 to vector<1x15xf32>
    %mul3A_308 = arith.mulf %dot_general3A_293, %mul3A_307 : vector<1x15xf32>
    %sub3A_309 = arith.subf %dot_general3A_297, %mul3A_308 : vector<1x15xf32>
    %jit3A_310 = arith.constant 0.000000e+00 : f32
    %jit3A_311 = arith.constant 5.120000e+02 : f32
    %max3A_312 = vector.broadcast %jit3A_310 : f32 to vector<1x15xf32>
    %max3A_313 = arith.maximumf %max3A_312, %sub3A_309 : vector<1x15xf32>
    %min3A_314 = vector.broadcast %jit3A_311 : f32 to vector<1x15xf32>
    %min3A_315 = arith.minimumf %min3A_314, %max3A_313 : vector<1x15xf32>
    %concatenate3A_316 = tpu.concatenate %dot_general3A_291, %dot_general3A_293, %min3A_305, %min3A_315 in 0 : vector<1x15xf32>, vector<1x15xf32>, vector<1x15xf32>, vector<1x15xf32> -> vector<4x15xf32>
    %convert_element_type3A_317 = arith.fptosi %concatenate3A_316 : vector<4x15xf32> to vector<4x15xi32>
    %swap3A_318 = arith.constant 0 : index
    %swap3A_319 = arith.constant 0 : index
    %swap3A_320 = vector.load %arg7[%swap3A_318, %swap3A_319] : memref<4x15xi32, #tpu.memory_space<vmem>>, vector<4x15xi32>
    tpu.vector_store %arg7[%swap3A_318, %swap3A_319], %convert_element_type3A_317 {strides = array<i32>} : memref<4x15xi32, #tpu.memory_space<vmem>>, vector<4x15xi32>,
    return
  }
}

module attributes {stable_mosaic.version = 14 : i64} {
  func.func @_gmm_body(%arg0: i32, %arg1: i32, %arg2: memref<15xi32, #tpu.memory_space<smem>>, %arg3: memref<15xi32, #tpu.memory_space<smem>>, %arg4: memref<15xi32, #tpu.memory_space<smem>>, %arg5: memref<15xi32, #tpu.memory_space<smem>>, %arg6: memref<512x2048xf32, #tpu.memory_space<vmem>>, %arg7: memref<1x2048x512xf32, #tpu.memory_space<vmem>>, %arg8: memref<1x512x2048xf32, #tpu.memory_space<vmem>>, %arg9: memref<4096x2048xf32, #tpu.memory_space<vmem>>) attributes {dimension_semantics = [#tpu.dimension_semantics<arbitrary>, #tpu.dimension_semantics<arbitrary>], iteration_bounds = array<i64: 8, 15>, scalar_prefetch = 4 : i64, scratch_operands = 0 : i64, tpu.core_type = #tpu.core_type<tc>, window_params = [{transform_indices = @transform_0, window_bounds = array<i64: 512, 2048>}, {transform_indices = @transform_1, window_bounds = array<i64: 1, 2048, 512>}, {transform_indices = @transform_2, window_bounds = array<i64: 1, 512, 2048>}, {pipeline_mode = #tpu.pipeline_mode<synchronous>, transform_indices = @transform_3, window_bounds = array<i64: 4096, 2048>}]} {
    %eq3A = arith.constant 0 : i32
    %eq3A_0 = arith.cmpi eq, %arg0, %eq3A : i32
    %eq3A_1 = arith.constant 0 : i32
    %eq3A_2 = arith.cmpi eq, %arg1, %eq3A_1 : i32
    %and3A = arith.andi %eq3A_0, %eq3A_2 : i1
    %convert_element_type3A = arith.extui %and3A : i1 to i32
    %cond3A = arith.constant 0 : i32
    %cond3A_3 = arith.cmpi ne, %convert_element_type3A, %cond3A : i32
    scf.if %cond3A_3 {
      %broadcast_in_dim3A = arith.constant 0.000000e+00 : f32
      %broadcast_in_dim3A_10 = vector.broadcast %broadcast_in_dim3A : f32 to vector<4096x2048xf32>
      %swap3A = arith.constant 0 : index
      %swap3A_11 = arith.constant 0 : index
      %swap3A_12 = vector.load %arg9[%swap3A, %swap3A_11] : memref<4096x2048xf32, #tpu.memory_space<vmem>>, vector<4096x2048xf32>
      tpu.vector_store %arg9[%swap3A, %swap3A_11], %broadcast_in_dim3A_10 {strides = array<i32>} : memref<4096x2048xf32, #tpu.memory_space<vmem>>, vector<4096x2048xf32>,
    } else {
    }
    %get3A = arith.index_cast %arg1 : i32 to index
    %get3A_4 = memref.load %arg4[%get3A] : memref<15xi32, #tpu.memory_space<smem>>
    %get3A_5 = arith.index_cast %arg1 : i32 to index
    %get3A_6 = memref.load %arg5[%get3A_5] : memref<15xi32, #tpu.memory_space<smem>>
    %gt3A = arith.cmpi sgt, %get3A_6, %get3A_4 : i32
    %convert_element_type3A_7 = arith.extui %gt3A : i1 to i32
    %cond3A_8 = arith.constant 0 : i32
    %cond3A_9 = arith.cmpi ne, %convert_element_type3A_7, %cond3A_8 : i32
    scf.if %cond3A_9 {
      %get3A_10 = arith.index_cast %arg1 : i32 to index
      %get3A_11 = memref.load %arg3[%get3A_10] : memref<15xi32, #tpu.memory_space<smem>>
      %get3A_12 = arith.constant 0 : index
      %get3A_13 = arith.constant 0 : index
      %get3A_14 = vector.load %arg6[%get3A_12, %get3A_13] : memref<512x2048xf32, #tpu.memory_space<vmem>>, vector<512x2048xf32>
      %get3A_15 = arith.constant 0 : index
      %get3A_16 = arith.constant 0 : index
      %get3A_17 = arith.constant 0 : index
      %get3A_18 = vector.load %arg7[%get3A_15, %get3A_16, %get3A_17] : memref<1x2048x512xf32, #tpu.memory_space<vmem>>, vector<1x2048x512xf32>
      %get3A_19 = vector.shape_cast %get3A_18 : vector<1x2048x512xf32> to vector<2048x512xf32>
      %dot_general3A = arith.constant dense<0.000000e+00> : vector<512x512xf32>
      %dot_general3A_20 = tpu.matmul %get3A_14, %get3A_19, %dot_general3A {dimension_numbers = #tpu.dot_dimension_numbers<[1], [0], [0], [1], [0, 0, 1, 1], [], []>, transpose_lhs_hint = false} : vector<512x2048xf32>, vector<2048x512xf32>, vector<512x512xf32> -> vector<512x512xf32>
      %mul3A = arith.constant 5.000000e-01 : f32
      %mul3A_21 = vector.broadcast %mul3A : f32 to vector<512x512xf32>
      %mul3A_22 = arith.mulf %mul3A_21, %dot_general3A_20 : vector<512x512xf32>
      %mul3A_23 = arith.constant 0.707106769 : f32
      %mul3A_24 = vector.broadcast %mul3A_23 : f32 to vector<512x512xf32>
      %mul3A_25 = arith.mulf %dot_general3A_20, %mul3A_24 : vector<512x512xf32>
      %erf3A = math.erf %mul3A_25 : vector<512x512xf32>
      %add3A = arith.constant 1.000000e+00 : f32
      %add3A_26 = vector.broadcast %add3A : f32 to vector<512x512xf32>
      %add3A_27 = arith.addf %add3A_26, %erf3A : vector<512x512xf32>
      %mul3A_28 = arith.mulf %mul3A_22, %add3A_27 : vector<512x512xf32>
      %iota3A = tpu.iota {dimensions = array<i32: 0>} : vector<512x1xi32>
      %ge3A = vector.broadcast %get3A_4 : i32 to vector<512x1xi32>
      %ge3A_29 = arith.cmpi sge, %iota3A, %ge3A : vector<512x1xi32>
      %lt3A = vector.broadcast %get3A_6 : i32 to vector<512x1xi32>
      %lt3A_30 = arith.cmpi slt, %iota3A, %lt3A : vector<512x1xi32>
      %and3A_31 = arith.andi %ge3A_29, %lt3A_30 : vector<512x1xi1>
      %jit3A = arith.constant 1.000000e+00 : f32
      %jit3A_32 = arith.constant 0.000000e+00 : f32
      %broadcast_in_dim3A = vector.broadcast %jit3A : f32 to vector<512x1xf32>
      %broadcast_in_dim3A_33 = vector.broadcast %jit3A_32 : f32 to vector<512x1xf32>
      %select_n3A = arith.select %and3A_31, %broadcast_in_dim3A, %broadcast_in_dim3A_33 : vector<512x1xi1>, vector<512x1xf32>
      %mul3A_34 = vector.broadcast %select_n3A : vector<512x1xf32> to vector<512x512xf32>
      %mul3A_35 = arith.mulf %mul3A_28, %mul3A_34 : vector<512x512xf32>
      %get3A_36 = arith.constant 0 : index
      %get3A_37 = arith.constant 0 : index
      %get3A_38 = arith.constant 0 : index
      %get3A_39 = vector.load %arg8[%get3A_36, %get3A_37, %get3A_38] : memref<1x512x2048xf32, #tpu.memory_space<vmem>>, vector<1x512x2048xf32>
      %get3A_40 = vector.shape_cast %get3A_39 : vector<1x512x2048xf32> to vector<512x2048xf32>
      %dot_general3A_41 = arith.constant dense<0.000000e+00> : vector<512x2048xf32>
      %dot_general3A_42 = tpu.matmul %mul3A_35, %get3A_40, %dot_general3A_41 {dimension_numbers = #tpu.dot_dimension_numbers<[1], [0], [0], [1], [0, 0, 1, 1], [], []>, transpose_lhs_hint = false} : vector<512x512xf32>, vector<512x2048xf32>, vector<512x2048xf32> -> vector<512x2048xf32>
      %mul3A_43 = arith.constant 512 : i32
      %mul3A_44 = arith.muli %get3A_11, %mul3A_43 : i32
      %get3A_45 = arith.index_cast %mul3A_44 : i32 to index
      %get3A_46 = arith.constant 0 : index
      %get3A_47 = vector.load %arg9[%get3A_45, %get3A_46] : memref<4096x2048xf32, #tpu.memory_space<vmem>>, vector<512x2048xf32>
      %add3A_48 = arith.addf %get3A_47, %dot_general3A_42 : vector<512x2048xf32>
      %swap3A = arith.index_cast %mul3A_44 : i32 to index
      %swap3A_49 = arith.constant 0 : index
      %swap3A_50 = vector.load %arg9[%swap3A, %swap3A_49] : memref<4096x2048xf32, #tpu.memory_space<vmem>>, vector<512x2048xf32>
      tpu.vector_store %arg9[%swap3A, %swap3A_49], %add3A_48 {strides = array<i32>} : memref<4096x2048xf32, #tpu.memory_space<vmem>>, vector<512x2048xf32>,
    } else {
    }
    return
  }
  func.func @transform_0(%arg0: i32, %arg1: i32, %arg2: memref<15xi32, #tpu.memory_space<smem>>, %arg3: memref<15xi32, #tpu.memory_space<smem>>, %arg4: memref<15xi32, #tpu.memory_space<smem>>, %arg5: memref<15xi32, #tpu.memory_space<smem>>) -> (i32, i32) {
    %get3A = arith.index_cast %arg1 : i32 to index
    %get3A_0 = memref.load %arg3[%get3A] : memref<15xi32, #tpu.memory_space<smem>>
    %c0_i32 = arith.constant 0 : i32
    %c0_i32_1 = arith.constant 0 : i32
    return %get3A_0, %c0_i32 : i32, i32
  }
  func.func @transform_1(%arg0: i32, %arg1: i32, %arg2: memref<15xi32, #tpu.memory_space<smem>>, %arg3: memref<15xi32, #tpu.memory_space<smem>>, %arg4: memref<15xi32, #tpu.memory_space<smem>>, %arg5: memref<15xi32, #tpu.memory_space<smem>>) -> (i32, i32, i32) {
    %get3A = arith.index_cast %arg1 : i32 to index
    %get3A_0 = memref.load %arg2[%get3A] : memref<15xi32, #tpu.memory_space<smem>>
    %c0_i32 = arith.constant 0 : i32
    %c0_i32_1 = arith.constant 0 : i32
    return %get3A_0, %c0_i32, %arg0 : i32, i32, i32
  }
  func.func @transform_2(%arg0: i32, %arg1: i32, %arg2: memref<15xi32, #tpu.memory_space<smem>>, %arg3: memref<15xi32, #tpu.memory_space<smem>>, %arg4: memref<15xi32, #tpu.memory_space<smem>>, %arg5: memref<15xi32, #tpu.memory_space<smem>>) -> (i32, i32, i32) {
    %get3A = arith.index_cast %arg1 : i32 to index
    %get3A_0 = memref.load %arg2[%get3A] : memref<15xi32, #tpu.memory_space<smem>>
    %c0_i32 = arith.constant 0 : i32
    %c0_i32_1 = arith.constant 0 : i32
    return %get3A_0, %arg0, %c0_i32 : i32, i32, i32
  }
  func.func @transform_3(%arg0: i32, %arg1: i32, %arg2: memref<15xi32, #tpu.memory_space<smem>>, %arg3: memref<15xi32, #tpu.memory_space<smem>>, %arg4: memref<15xi32, #tpu.memory_space<smem>>, %arg5: memref<15xi32, #tpu.memory_space<smem>>) -> (i32, i32) {
    %c0_i32 = arith.constant 0 : i32
    %c0_i32_0 = arith.constant 0 : i32
    %c0_i32_1 = arith.constant 0 : i32
    return %c0_i32, %c0_i32_0 : i32, i32
  }
}

module attributes {stable_mosaic.version = 14 : i64} {
  func.func @_wadd_body(%arg0: i32, %arg1: memref<256x2048xf32, #tpu.memory_space<vmem>>, %arg2: memref<256x2048xf32, #tpu.memory_space<vmem>>, %arg3: memref<256x2xf32, #tpu.memory_space<vmem>>, %arg4: memref<256x2048xf32, #tpu.memory_space<vmem>>) attributes {dimension_semantics = [#tpu.dimension_semantics<arbitrary>], iteration_bounds = array<i64: 8>, scalar_prefetch = 0 : i64, scratch_operands = 0 : i64, tpu.core_type = #tpu.core_type<tc>, window_params = [{transform_indices = @transform_0, window_bounds = array<i64: 256, 2048>}, {transform_indices = @transform_1, window_bounds = array<i64: 256, 2048>}, {transform_indices = @transform_2, window_bounds = array<i64: 256, 2>}, {transform_indices = @transform_3, window_bounds = array<i64: 256, 2048>}]} {
    %get3A = arith.constant 0 : index
    %get3A_0 = arith.constant 0 : index
    %get3A_1 = vector.load %arg3[%get3A, %get3A_0] : memref<256x2xf32, #tpu.memory_space<vmem>>, vector<256x2xf32>
    %get3A_2 = arith.constant 0 : index
    %get3A_3 = arith.constant 0 : index
    %get3A_4 = vector.load %arg1[%get3A_2, %get3A_3] : memref<256x2048xf32, #tpu.memory_space<vmem>>, vector<256x2048xf32>
    %slice3A = vector.extract_strided_slice %get3A_1 {offsets = [0, 0], sizes = [256, 1], strides = [1, 1]} : vector<256x2xf32> to vector<256x1xf32>
    %mul3A = vector.broadcast %slice3A : vector<256x1xf32> to vector<256x2048xf32>
    %mul3A_5 = arith.mulf %get3A_4, %mul3A : vector<256x2048xf32>
    %get3A_6 = arith.constant 0 : index
    %get3A_7 = arith.constant 0 : index
    %get3A_8 = vector.load %arg2[%get3A_6, %get3A_7] : memref<256x2048xf32, #tpu.memory_space<vmem>>, vector<256x2048xf32>
    %slice3A_9 = vector.extract_strided_slice %get3A_1 {offsets = [0, 1], sizes = [256, 1], strides = [1, 1]} : vector<256x2xf32> to vector<256x1xf32>
    %mul3A_10 = vector.broadcast %slice3A_9 : vector<256x1xf32> to vector<256x2048xf32>
    %mul3A_11 = arith.mulf %get3A_8, %mul3A_10 : vector<256x2048xf32>
    %add3A = arith.addf %mul3A_5, %mul3A_11 : vector<256x2048xf32>
    %swap3A = arith.constant 0 : index
    %swap3A_12 = arith.constant 0 : index
    %swap3A_13 = vector.load %arg4[%swap3A, %swap3A_12] : memref<256x2048xf32, #tpu.memory_space<vmem>>, vector<256x2048xf32>
    tpu.vector_store %arg4[%swap3A, %swap3A_12], %add3A {strides = array<i32>} : memref<256x2048xf32, #tpu.memory_space<vmem>>, vector<256x2048xf32>,
    return
  }
  func.func @transform_0(%arg0: i32) -> (i32, i32) {
    %c0_i32 = arith.constant 0 : i32
    %c0_i32_0 = arith.constant 0 : i32
    return %arg0, %c0_i32 : i32, i32
  }
  func.func @transform_1(%arg0: i32) -> (i32, i32) {
    %add3A = arith.constant 8 : i32
    %add3A_0 = arith.addi %arg0, %add3A : i32
    %c0_i32 = arith.constant 0 : i32
    %c0_i32_1 = arith.constant 0 : i32
    return %add3A_0, %c0_i32 : i32, i32
  }
  func.func @transform_2(%arg0: i32) -> (i32, i32) {
    %c0_i32 = arith.constant 0 : i32
    %c0_i32_0 = arith.constant 0 : i32
    return %arg0, %c0_i32 : i32, i32
  }
  func.func @transform_3(%arg0: i32) -> (i32, i32) {
    %c0_i32 = arith.constant 0 : i32
    %c0_i32_0 = arith.constant 0 : i32
    return %arg0, %c0_i32 : i32, i32
  }
}

</mosaic_0001>

<sc_bundles>
// kernel: kernel.10.cloned.1.call-start
scs
__scs_entry_jumppad:
0x0: {  	(pc) =	sbr.rel $0x88, $3  }
0x1: {  	(tag) =	ssettag $0x0;
	lr =	simm.s32 $0x1  }
0x2: {  	[smem:$0x3F9D] =	sst lr;
	_ =	strace $0xD0000000  }
0x3: {  	_ = 	snop  }
0x4: {  	_ = 	snop  }
0x5: {  	_ = 	snop  }
0x6: {  	_ = 	snop  }
0x7: {  	_ = 	snop  }
__scs_overlays_trampoline_lowered:
0x8: {  	[smem:$0x3FAC] =	sst s0  }
0x9: {  	[smem:$0x3FAD] =	sst s1  }
0xa: {  	[smem:$0x3FAE] =	sst s2  }
0xb: {  	[smem:$0x3FAF] =	sst s3  }
0xc: {  	[smem:$0x3FB0] =	sst s4  }
0xd: {  	[smem:$0x3FB1] =	sst s5  }
0xe: {  	[smem:$0x3FB2] =	sst s6  }
0xf: {  	[smem:$0x3FB3] =	sst s7  }
0x10: {  	[smem:$0x3FB4] =	sst s8  }
0x11: {  	[smem:$0x3FB5] =	sst s9;
	s0 =	simm.s32 @!p0 $0x0  }
0x12: {  	s1 =	sld [smem:$0x3F9B];
	s0 =	simm.s32 @p0 $0x1  }
0x13: {  	[smem:$0x3FB6] =	sst s0;
	s0 =	simm.s32 @!p1 $0x0  }
0x14: {  	s2 =	sld [smem:$0x3F9A];
	s0 =	simm.s32 @p1 $0x1  }
0x15: {  	[smem:$0x3FB7] =	sst s0;
	s0 =	simm.s32 @!p2 $0x0  }
0x16: {  	s3 =	sld [smem:$0x3FDB];
	s0 =	simm.s32 @p2 $0x1  }
0x17: {  	s4 =	simm.s32 $0x1BF5;
	[smem:$0x3FB9] =	sst s0  }
0x18: {  	s0 =	sld [smem:$0x3F9C];
	_ =	swait.ge [sflag:s4], $0x0  }
0x19: {  	s7 =	sld [smem:$0x3F9D]  }
0x1a: {  	s8 =	sadd.s32 $0xFFFFE003, lr  }
0x1b: {  	s9 =	sadd.s32 $0xFFFFFEF7, lr;
	s5 =	simm.s32 $0xFFFFFFFF;
	p2 =	slt.u32 s8, $0xFFFFF086  }
0x1c: {  	p1 =	slt.u32 s9, $0xF7A;
	s5 =	simm.s32 @!p2 $0x0  }
0x1d: {  	s5 =	simm.s32 @p1 $0x1;
	p0 =	seq.s32 s7, s2  }
0x1e: {  	s7 =	smul.u32 @!p0 $0xF7A, s2;
	p2 =	seq.s32 @!p0 s5, $0x0  }
0x1f: {  	s9 =	smul.u32 $0xF7A, s1;
	s8 =	simm.s32 @!p0 $0x1BF5;
	p2 =	por !p2, p0  }
0x20: {  	[sflag:s8] =	ssyncset.s32 @!p0 $0xFFFFF086;
	s6 =	sadd.s32 @!p0 s3, s7;
	s7 =	simm.s32 @!p0 $0x108  }
0x21: {  	s3 =	sadd.s32 s3, s9;
	s6 =	sadd.s32 @!p0 $0x88, s6;
	s7 =	simm.s32 @p2 $0x1082  }
0x22: {  	[simem:s7], [sflag:s8] =	dma.local @!p0 [hbm:s6], $0xF7A  }
0x23: {  	s9 =	sor.u32 $0xD0000000, s2;
	s6 =	simm.s32 $0x108;
	_ =	swait.ge @!p0 [sflag:s8], $0x0  }
0x24: {  	s3 =	sadd.s32 $0x88, s3;
	s6 =	simm.s32 @!p1 $0x1082;
	[sflag:s4] =	ssyncset.s32 $0xFFFFF086  }
0x25: {  	[simem:s6], [sflag:s4] =	dma.local [hbm:s3], $0xF7A  }
0x26: {  	[smem:$0x3F9D] =	sst s1;
	(tag) =	ssettag s2;
	_ =	strace s9  }
0x27: {  	s1 =	sld [smem:$0x3FAD]  }
0x28: {  	s2 =	sld [smem:$0x3FAE]  }
0x29: {  	s4 =	sld [smem:$0x3FB0]  }
0x2a: {  	p0 =	seq.s32 s5, $0x0;
	s5 =	sld [smem:$0x3FB1]  }
0x2b: {  	s6 =	sld [smem:$0x3FB2]  }
0x2c: {  	s7 =	sld [smem:$0x3FB3]  }
0x2d: {  	s3 =	simm.s32 $0x108;
	s8 =	sld [smem:$0x3FB4]  }
0x2e: {  	s3 =	simm.s32 @!p0 $0x1082;
	s9 =	sld [smem:$0x3FB5]  }
0x2f: {  	lr =	sadd.s32 s0, s3;
	s0 =	sld [smem:$0x3FAC]  }
0x30: {  	s3 =	sld [smem:$0x3FAF]  }
0x31: {  	[smem:$0x3FB8] =	sst s10  }
0x32: {  	s10 =	sld [smem:$0x3FB6];
	_ =	sdelay $0x3  }
0x33: {  	p0 =	seq.s32 s10, $0x1;
	s10 =	sld [smem:$0x3FB8];
	_ =	sdelay $0x3  }
0x34: {  	[smem:$0x3FB8] =	sst s10  }
0x35: {  	s10 =	sld [smem:$0x3FB7];
	_ =	sdelay $0x3  }
0x36: {  	p1 =	seq.s32 s10, $0x1;
	s10 =	sld [smem:$0x3FB8];
	_ =	sdelay $0x3  }
0x37: {  	[smem:$0x3FB8] =	sst s10  }
0x38: {  	s10 =	sld [smem:$0x3FB9]  }
0x39: {  	_ = 	snop;
	(pc) =	sbr.ind lr, $3  }
0x3a: {  	_ = 	snop  }
0x3b: {  	_ = 	snop  }
0x3c: {  	p2 =	seq.s32 s10, $0x1;
	s10 =	sld [smem:$0x3FB8]  }
0x3d: {  	_ =	shalt  }
0x3e: {  	_ =	shalt  }
0x3f: {  	_ =	shalt  }
0x40: {  	_ =	shalt  }
0x41: {  	_ =	shalt  }
0x42: {  	_ =	shalt  }
0x43: {  	_ =	shalt  }
0x44: {  	_ =	shalt  }
0x45: {  	_ =	shalt  }
0x46: {  	_ =	shalt  }
0x47: {  	_ =	shalt  }
0x48: {  	_ =	shalt  }
0x49: {  	_ =	shalt  }
0x4a: {  	_ =	shalt  }
0x4b: {  	_ =	shalt  }
0x4c: {  	_ =	shalt  }
0x4d: {  	_ =	shalt  }
0x4e: {  	_ =	shalt  }
0x4f: {  	_ =	shalt  }
0x50: {  	_ =	shalt  }
0x51: {  	_ =	shalt  }
0x52: {  	_ =	shalt  }
0x53: {  	_ =	shalt  }
0x54: {  	_ =	shalt  }
0x55: {  	_ =	shalt  }
0x56: {  	_ =	shalt  }
0x57: {  	_ =	shalt  }
0x58: {  	_ =	shalt  }
0x59: {  	_ =	shalt  }
0x5a: {  	_ =	shalt  }
0x5b: {  	_ =	shalt  }
0x5c: {  	_ =	shalt  }
0x5d: {  	_ =	shalt  }
0x5e: {  	_ =	shalt  }
0x5f: {  	_ =	shalt  }
0x60: {  	_ =	shalt  }
0x61: {  	_ =	shalt  }
0x62: {  	_ =	shalt  }
0x63: {  	_ =	shalt  }
0x64: {  	_ =	shalt  }
0x65: {  	_ =	shalt  }
0x66: {  	_ =	shalt  }
0x67: {  	_ =	shalt  }
0x68: {  	_ =	shalt  }
0x69: {  	_ =	shalt  }
0x6a: {  	_ =	shalt  }
0x6b: {  	_ =	shalt  }
0x6c: {  	_ =	shalt  }
0x6d: {  	_ =	shalt  }
0x6e: {  	_ =	shalt  }
0x6f: {  	_ =	shalt  }
0x70: {  	_ =	shalt  }
0x71: {  	_ =	shalt  }
0x72: {  	_ =	shalt  }
0x73: {  	_ =	shalt  }
0x74: {  	_ =	shalt  }
0x75: {  	_ =	shalt  }
0x76: {  	_ =	shalt  }
0x77: {  	_ =	shalt  }
0x78: {  	_ =	shalt  }
0x79: {  	_ =	shalt  }
0x7a: {  	_ =	shalt  }
0x7b: {  	_ =	shalt  }
0x7c: {  	_ =	shalt  }
0x7d: {  	_ =	shalt  }
0x7e: {  	_ =	shalt  }
0x7f: {  	_ =	shalt  }
0x80: {  	_ =	shalt  }
0x81: {  	_ =	shalt  }
0x82: {  	_ =	shalt  }
0x83: {  	_ =	shalt  }
0x84: {  	_ =	shalt  }
0x85: {  	_ =	shalt  }
0x86: {  	_ =	shalt  }
0x87: {  	_ =	shalt  }
.Lfunc_end0:
.L_simem_size_0:
called_computation.1_lowered:
.L_overlay_start_0:
0x88: {  	s2 =	sld [smem:$0x3FD9]  }
0x89: {  	s3 =	sld [smem:$0x3FFE];
	_ =	sdelay $0x1  }
0x8a: {  	s1 =	srdreg.scid  }
0x8b: {  	s0 =	sand.u32 $0x1, s1  }
0x8c: {  	s16 =	sshll.u32 s0, $0xA;
	s2 =	sadd.s32 s3, s2  }
0x8d: {  	s2 =	sadd.s32 s2, s16  }
0x8e: {  	[smem:$0x3FC4] =	sst s2  }
0x8f: {  	_ = 	snop  }
0x90: {  	(tm) =	ssettm $0x1  }
0x91: {  	s17 =	sld [smem:$0x3FFB];
	_ =	sdelay $0x3  }
0x92: {  	_ =	strace s17  }
0x93: {  	s2 =	sld [smem:$0x3FFC];
	_ =	sdelay $0x3  }
0x94: {  	_ =	strace s2  }
0x95: {  	s2 =	sld [smem:$0x3FFD];
	_ =	sdelay $0x3  }
0x96: {  	_ =	strace s2  }
0x97: {  	_ =	strace $0x8FFFFFFF  }
0x98: {  	s18 =	sld [smem:$0x3FDB];
	_ =	sdelay $0x1  }
0x99: {  	s19 =	simm.s32 $_scs_section_size  }
0x9a: {  	s4 =	simm.s32 $_size__tile_overlayer_lowered;
	s5 =	simm.s32 $_tile_overlayer_lowered  }
0x9b: {  	s22 =	simm.s32 $0x1BFF;
	s21 =	sshll.u32 s5, $0x1;
	s2 =	sadd.s32 s19, s18  }
0x9c: {  	s6 =	simm.s32 $0x0;
	s20 =	sshll.u32 s4, $0x1;
	s4 =	sadd.s32 s21, s2  }
0x9d: {  	[timem:s6], [sflag:s22] =	dma.local [hbm:s4], s20  }
0x9e: {  	_ =	swait.ge [sflag:s22], s20  }
0x9f: {  	s3 =	ssub.s32 $0x0, s20;
	[sflag:s22] =	ssyncset.done $0x0  }
0xa0: {  	[sflag:s22] =	ssyncadd.s32 s3;
	_ =	sdelay $0x1  }
0xa1: {  	s23 =	simm.s32 $0x1B8B  }
0xa2: {  	_ =	swait.ge [sflag:s23], $0x1  }
0xa3: {  	[sflag:s23] =	ssyncset.done $0x0  }
0xa4: {  	s25 =	simm.s32 $0x1B8E;
	s24 =	sld [smem:$0x3FFE];
	[sflag:s23] =	ssyncadd.s32 $0xFFFFFFFF  }
0xa5: {  	s26 =	simm.s32 $execute0_lowered;
	[smem:$0x3FD2] =	sst s25  }
0xa6: {  	s4 =	sshll.u32 s26, $0x1;
	_ =	strace $0x80000049;
	[dreg:$0x1] =	wrdreg $0xFFFFFFFF  }
0xa7: {  	s28 =	simm.s32 $_size_execute0_lowered;
	s2 =	sadd.s32 s2, s4;
	[dreg:$0x0] =	wrdreg $0x0  }
0xa8: {  	s4 =	sshll.u32 s28, $0x1;
	[dreg:$0x2] =	wrdreg s2  }
0xa9: {  	[dreg:$0x3] =	wrdreg s4  }
0xaa: {  	[dreg:$0x4] =	wrdreg $0xC0  }
0xab: {  	_ =	task [dreg:s6], $0x5FFFF  }
0xac: {  	[dreg:$0x1] =	wrdreg $0xFFFFFFFF  }
0xad: {  	[dreg:$0x0] =	wrdreg $0x60  }
0xae: {  	[dreg:$0x2] =	wrdreg s24  }
0xaf: {  	[dreg:$0x3] =	wrdreg $0x9  }
0xb0: {  	_ =	task.clear_ibuf [dreg:s6], $0x4FFFF;
	_ =	strace $0x90000049  }
0xb1: {  	s29 =	simm.s32 $0x9;
	_ =	strace $0x8000004B  }
0xb2: {  	_ =	swait.ge [sflag:s29], $0x1  }
0xb3: {  	[sflag:s29] =	ssyncadd.s32 $0xFFFFFFFF  }
0xb4: {  	_ =	strace $0x9000004B  }
0xb5: {  	_ =	sfence  }
0xb6: {  	s30 =	sld [smem:$0x0];
	_ =	sdelay $0x2  }
0xb7: {  	s31 =	sshll.u32 s1, $0xD;
	s1 =	sshrl.u32 s1, $0x2  }
0xb8: {  	s3 =	sand.u32 $0x4000, s31;
	s1 =	sadd.s32 s1, s30  }
0xb9: {  	s0 =	sor.u32 s3, s0;
	s1 =	sshll.u32 s1, $0x11  }
0xba: {  	s0 =	sor.u32 s1, s0  }
0xbb: {  	s0 =	sadd.s32 $0x8F2B, s0  }
0xbc: {  	[sflag:s0] =	ssyncadd.remote.s32 $0x1  }
0xbd: {  	_ =	sfence.sel $0xFFFF  }
0xbe: {  	[dreg:$0x0] =	wrdreg $0xFFFFFFFF;
	(pc) =	sbr.abs _section_cstart, $3  }
0xbf: {  	[dreg:$0x1] =	wrdreg $0xFFFFFFFF  }
0xc0: {  	_ =	task.clear_ibuf [dreg:s6], $0x2FFFF;
	_ =	strace $0x9FFFFFFF  }
0xc1: {  	(tm) =	ssettm $0x7FFFFFFF  }
tec
execute0_lowered:
.L_overlay_start_1:
0x0: {  	(tag) =	ssettag $0x1  }
0x1: {  	s0 =	srdreg.scid  }
0x2: {  	s5 =	stileid.u32;
	s1 =	rddreg [dreg:$0x0];
	s2 =	simm.s32 $0x0  }
0x3: {  	s14 =	simm.s32 $0x880;
	s15 =	simm.s32 $0x1080;
	[smem:$0x7FF] =	sst s2  }
0x4: {  	s17 =	simm.s32 $0x1880;
	_ =	strace $0x8000004A;
	[dreg:$0x3] =	wrdreg s14  }
0x5: {  	s18 =	simm.s32 $0x2080;
	s19 =	simm.s32 $0x2880;
	[dreg:$0x4] =	wrdreg s15  }
0x6: {  	s20 =	simm.s32 $0x3080;
	s7 =	simm.s32 $0x3880;
	[dreg:$0x5] =	wrdreg s17  }
0x7: {  	s8 =	simm.s32 $0x4080;
	s9 =	simm.s32 $0x4880;
	[dreg:$0x6] =	wrdreg s18  }
0x8: {  	s10 =	simm.s32 $0x5080;
	s21 =	simm.s32 $0x6080;
	[dreg:$0x7] =	wrdreg s19  }
0x9: {  	s22 =	simm.s32 $0x6880;
	s23 =	simm.s32 $0x7080;
	[dreg:$0x8] =	wrdreg s20  }
0xa: {  	s24 =	simm.s32 $0x7880;
	s25 =	simm.s32 $0x8080;
	[dreg:$0x9] =	wrdreg s7  }
0xb: {  	s26 =	simm.s32 $0x8880;
	s28 =	simm.s32 $0xF080;
	[dreg:$0xa] =	wrdreg s8  }
0xc: {  	s29 =	simm.s32 $0xF880;
	s30 =	simm.s32 $0x1;
	[dreg:$0xb] =	wrdreg s9  }
0xd: {  	s31 =	simm.s32 $0x0;
	s0 =	sand.u32 $0x1, s0;
	[dreg:$0xc] =	wrdreg s10  }
0xe: {  	s3 =	sshll.u32 s5, $0x8;
	s5 =	sshll.u32 s5, $0x10;
	[dreg:$0xe] =	wrdreg s21  }
0xf: {  	s4 =	sshll.u32 s0, $0x7;
	s12 =	sadd.s32 s5, s1;
	[dreg:$0xf] =	wrdreg s22  }
0x10: {  	s16 =	ssub.s32 $0x2, s0;
	s5 =	sadd.s32 $0x102000, s1;
	[dreg:$0x10] =	wrdreg s23  }
0x11: {  	s7 =	sadd.s32 $0x102200, s1;
	s8 =	sadd.s32 $0x102300, s1;
	[dreg:$0x11] =	wrdreg s24  }
0x12: {  	s9 =	sadd.s32 $0x102400, s1;
	s10 =	sadd.s32 $0x102500, s1;
	[dreg:$0x12] =	wrdreg s25  }
0x13: {  	s0 =	sshll.u32 s0, $0xF;
	s14 =	simm.s32 $0x80;
	[dreg:$0x13] =	wrdreg s26  }
0x14: {  	s15 =	simm.s32 $0x9080;
	s17 =	simm.s32 $0xA080;
	s18 =	simm.s32 $0xA880  }
0x15: {  	s19 =	simm.s32 $0xB080;
	s20 =	simm.s32 $0xB880;
	s21 =	simm.s32 $0xC080  }
0x16: {  	s22 =	simm.s32 $0xC880;
	s23 =	simm.s32 $0xD080;
	s24 =	simm.s32 $0xD880  }
0x17: {  	s25 =	simm.s32 $0xE080;
	s26 =	simm.s32 $0xE880;
	s3 =	sor.u32 s4, s3  }
0x18: {  	s6 =	sshrl.u32 s16, $0x1;
	s0 =	sadd.s32 s0, s12;
	s3 =	sshrl.u32 s3, $0x3  }
0x19: {  	s11 =	ssub.s32 s16, s6;
	s6 =	sadd.s32 $0x102100, s1;
	s0 =	sadd.s32 $0x1000, s0  }
0x1a: {  	s13 =	sadd.s32 s3, s1;
	s11 =	smax.u32 s11, $0x1;
	[dreg:$0x15] =	wrdreg s0  }
0x1b: {  	v2 =	vlaneseq.u32;
	s16 =	simm.s32 $0x9880;
	s4 =	sadd.s32 $0x101400, s13;
	[dreg:$0x14] =	wrdreg s11  }
0x1c: {  	vm0 =	vmmov $0xffff;
	v1 =	vshrl.u32 v2, $0x3;
	s3 =	sadd.s32 $0x101E00, s1;
	s13 =	simm.s32 $0x5880;
	[dreg:$0x2] =	wrdreg s4  }
0x1d: {  	v0 =	vand.u32 $0x7, v2;
	v2 =	vor.u32 $0x8, v2;
	v1 =	vmul.u32 $0x8, v1;
	s4 =	sadd.s32 $0x101F00, s1;
	[dreg:$0xd] =	wrdreg s13;
	s13 =	simm.s32 $0x2  }
.LBB2_1:
0x1e: {  	s12 =	rddreg [dreg:$0x15];
	s0 =	simm.s32 $0x0  }
.LBB2_2:
0x1f: {  	s11 =	rddreg [dreg:$0x2]  }
0x20: {  	s11 =	sadd.s32 s0, s11  }
0x21: {  	[tilespmem:s2], [sflag:$0x2] =	stream.linear.gather [hbm4b:s11+s2], $0x20, $0x38;
	[tilespmem:$0x10080] =	vst v63  }
0x22: {  	_ =	swait.ge [sflag:s13], $0x20  }
0x23: {  	[sflag:s13] =	ssyncset.done $0x0  }
0x24: {  	[sflag:s13] =	ssyncadd.s32 $0xFFFFFFE0  }
0x25: {  	v3 =	vld [tilespmem:$0x0];
	_ =	sdelay $0x4  }
0x26: {  	v4 =	vshll.u32 v3, $0x4  }
0x27: {  	v3 =	vand.u32 $0x7, v3;
	v4 =	vand.u32 $0xFFFFFF80, v4  }
0x28: {  	v3 =	vor.u32 v3, v4  }
0x29: {  	v4 =	vperm.xlane v3, v0;
	_ =	sdelay $0x1  }
0x2a: {  	v4 =	vadd.s32 v1, v4;
	_ =	sdelay $0x4  }
0x2b: {  	[tilespmem:s14], [sflag:$0x1] =	stream.indirect_vreg.gather [hbm4b:s3+s2], $0x80, v4, vm0, $0xb8;
	[tilespmem:$0x10080] =	vst v63  }
0x2c: {  	s11 =	rddreg [dreg:$0x3]  }
0x2d: {  	[tilespmem:s11], [sflag:$0x1] =	stream.indirect_vreg.gather [hbm4b:s4+s2], $0x80, v4, vm0, $0xb8;
	[tilespmem:$0x10080] =	vst v63  }
0x2e: {  	s1 =	rddreg [dreg:$0x4]  }
0x2f: {  	[tilespmem:s1], [sflag:$0x1] =	stream.indirect_vreg.gather [hbm4b:s5+s2], $0x80, v4, vm0, $0xb8;
	[tilespmem:$0x10080] =	vst v63  }
0x30: {  	s11 =	rddreg [dreg:$0x5]  }
0x31: {  	[tilespmem:s11], [sflag:$0x1] =	stream.indirect_vreg.gather [hbm4b:s6+s2], $0x80, v4, vm0, $0xb8;
	[tilespmem:$0x10080] =	vst v63  }
0x32: {  	s1 =	rddreg [dreg:$0x6]  }
0x33: {  	[tilespmem:s1], [sflag:$0x1] =	stream.indirect_vreg.gather [hbm4b:s7+s2], $0x80, v4, vm0, $0xb8;
	[tilespmem:$0x10080] =	vst v63  }
0x34: {  	v3 =	vperm.xlane v3, v2;
	s11 =	rddreg [dreg:$0x7]  }
0x35: {  	[tilespmem:s11], [sflag:$0x1] =	stream.indirect_vreg.gather [hbm4b:s8+s2], $0x80, v4, vm0, $0xb8;
	[tilespmem:$0x10080] =	vst v63  }
0x36: {  	v3 =	vadd.s32 v1, v3;
	s1 =	rddreg [dreg:$0x8]  }
0x37: {  	[tilespmem:s1], [sflag:$0x1] =	stream.indirect_vreg.gather [hbm4b:s9+s2], $0x80, v4, vm0, $0xb8;
	[tilespmem:$0x10080] =	vst v63  }
0x38: {  	s11 =	rddreg [dreg:$0x9]  }
0x39: {  	[tilespmem:s11], [sflag:$0x1] =	stream.indirect_vreg.gather [hbm4b:s10+s2], $0x80, v4, vm0, $0xb8;
	[tilespmem:$0x10080] =	vst v63  }
0x3a: {  	s1 =	rddreg [dreg:$0xa]  }
0x3b: {  	[tilespmem:s1], [sflag:$0x1] =	stream.indirect_vreg.gather [hbm4b:s3+s2], $0x80, v3, vm0, $0xb8;
	[tilespmem:$0x10080] =	vst v63  }
0x3c: {  	s11 =	rddreg [dreg:$0xb]  }
0x3d: {  	[tilespmem:s11], [sflag:$0x1] =	stream.indirect_vreg.gather [hbm4b:s4+s2], $0x80, v3, vm0, $0xb8;
	[tilespmem:$0x10080] =	vst v63  }
0x3e: {  	s1 =	rddreg [dreg:$0xc]  }
0x3f: {  	[tilespmem:s1], [sflag:$0x1] =	stream.indirect_vreg.gather [hbm4b:s5+s2], $0x80, v3, vm0, $0xb8;
	[tilespmem:$0x10080] =	vst v63  }
0x40: {  	s11 =	rddreg [dreg:$0xd]  }
0x41: {  	[tilespmem:s11], [sflag:$0x1] =	stream.indirect_vreg.gather [hbm4b:s6+s2], $0x80, v3, vm0, $0xb8;
	[tilespmem:$0x10080] =	vst v63  }
0x42: {  	s1 =	rddreg [dreg:$0xe]  }
0x43: {  	[tilespmem:s1], [sflag:$0x1] =	stream.indirect_vreg.gather [hbm4b:s7+s2], $0x80, v3, vm0, $0xb8;
	[tilespmem:$0x10080] =	vst v63  }
0x44: {  	s11 =	rddreg [dreg:$0xf]  }
0x45: {  	[tilespmem:s11], [sflag:$0x1] =	stream.indirect_vreg.gather [hbm4b:s8+s2], $0x80, v3, vm0, $0xb8;
	[tilespmem:$0x10080] =	vst v63  }
0x46: {  	s1 =	rddreg [dreg:$0x10]  }
0x47: {  	[tilespmem:s1], [sflag:$0x1] =	stream.indirect_vreg.gather [hbm4b:s9+s2], $0x80, v3, vm0, $0xb8;
	[tilespmem:$0x10080] =	vst v63  }
0x48: {  	s11 =	rddreg [dreg:$0x11]  }
0x49: {  	[tilespmem:s11], [sflag:$0x1] =	stream.indirect_vreg.gather [hbm4b:s10+s2], $0x80, v3, vm0, $0xb8;
	[tilespmem:$0x10080] =	vst v63  }
0x4a: {  	v3 =	vld [tilespmem:$0x10];
	_ =	sdelay $0x4  }
0x4b: {  	v63 =	vshll.u32 v3, $0x4  }
0x4c: {  	v3 =	vand.u32 $0x7, v3;
	v4 =	vand.u32 $0xFFFFFF80, v63  }
0x4d: {  	v3 =	vor.u32 v3, v4  }
0x4e: {  	v4 =	vperm.xlane v3, v0;
	_ =	sdelay $0x1  }
0x4f: {  	v4 =	vadd.s32 v1, v4;
	_ =	sdelay $0x3  }
0x50: {  	s1 =	rddreg [dreg:$0x12]  }
0x51: {  	[tilespmem:s1], [sflag:$0x1] =	stream.indirect_vreg.gather [hbm4b:s3+s2], $0x80, v4, vm0, $0xb8;
	[tilespmem:$0x10080] =	vst v63  }
0x52: {  	s11 =	rddreg [dreg:$0x13]  }
0x53: {  	[tilespmem:s11], [sflag:$0x1] =	stream.indirect_vreg.gather [hbm4b:s4+s2], $0x80, v4, vm0, $0xb8;
	[tilespmem:$0x10080] =	vst v63  }
0x54: {  	_ = 	snop  }
0x55: {  	[tilespmem:s15], [sflag:$0x1] =	stream.indirect_vreg.gather [hbm4b:s5+s2], $0x80, v4, vm0, $0xb8;
	[tilespmem:$0x10080] =	vst v63  }
0x56: {  	_ = 	snop  }
0x57: {  	[tilespmem:s16], [sflag:$0x1] =	stream.indirect_vreg.gather [hbm4b:s6+s2], $0x80, v4, vm0, $0xb8;
	[tilespmem:$0x10080] =	vst v63  }
0x58: {  	_ = 	snop  }
0x59: {  	[tilespmem:s17], [sflag:$0x1] =	stream.indirect_vreg.gather [hbm4b:s7+s2], $0x80, v4, vm0, $0xb8;
	[tilespmem:$0x10080] =	vst v63  }
0x5a: {  	v3 =	vperm.xlane v3, v2  }
0x5b: {  	[tilespmem:s18], [sflag:$0x1] =	stream.indirect_vreg.gather [hbm4b:s8+s2], $0x80, v4, vm0, $0xb8;
	[tilespmem:$0x10080] =	vst v63  }
0x5c: {  	v3 =	vadd.s32 v1, v3  }
0x5d: {  	[tilespmem:s19], [sflag:$0x1] =	stream.indirect_vreg.gather [hbm4b:s9+s2], $0x80, v4, vm0, $0xb8;
	[tilespmem:$0x10080] =	vst v63  }
0x5e: {  	_ = 	snop  }
0x5f: {  	[tilespmem:s20], [sflag:$0x1] =	stream.indirect_vreg.gather [hbm4b:s10+s2], $0x80, v4, vm0, $0xb8;
	[tilespmem:$0x10080] =	vst v63  }
0x60: {  	_ = 	snop  }
0x61: {  	[tilespmem:s21], [sflag:$0x1] =	stream.indirect_vreg.gather [hbm4b:s3+s2], $0x80, v3, vm0, $0xb8;
	[tilespmem:$0x10080] =	vst v63  }
0x62: {  	_ = 	snop  }
0x63: {  	[tilespmem:s22], [sflag:$0x1] =	stream.indirect_vreg.gather [hbm4b:s4+s2], $0x80, v3, vm0, $0xb8;
	[tilespmem:$0x10080] =	vst v63  }
0x64: {  	_ = 	snop  }
0x65: {  	[tilespmem:s23], [sflag:$0x1] =	stream.indirect_vreg.gather [hbm4b:s5+s2], $0x80, v3, vm0, $0xb8;
	[tilespmem:$0x10080] =	vst v63  }
0x66: {  	_ = 	snop  }
0x67: {  	[tilespmem:s24], [sflag:$0x1] =	stream.indirect_vreg.gather [hbm4b:s6+s2], $0x80, v3, vm0, $0xb8;
	[tilespmem:$0x10080] =	vst v63  }
0x68: {  	_ = 	snop  }
0x69: {  	[tilespmem:s25], [sflag:$0x1] =	stream.indirect_vreg.gather [hbm4b:s7+s2], $0x80, v3, vm0, $0xb8;
	[tilespmem:$0x10080] =	vst v63  }
0x6a: {  	_ = 	snop  }
0x6b: {  	[tilespmem:s26], [sflag:$0x1] =	stream.indirect_vreg.gather [hbm4b:s8+s2], $0x80, v3, vm0, $0xb8;
	[tilespmem:$0x10080] =	vst v63  }
0x6c: {  	_ = 	snop  }
0x6d: {  	[tilespmem:s28], [sflag:$0x1] =	stream.indirect_vreg.gather [hbm4b:s9+s2], $0x80, v3, vm0, $0xb8;
	[tilespmem:$0x10080] =	vst v63  }
0x6e: {  	_ = 	snop  }
0x6f: {  	[tilespmem:s29], [sflag:$0x1] =	stream.indirect_vreg.gather [hbm4b:s10+s2], $0x80, v3, vm0, $0xb8;
	[tilespmem:$0x10080] =	vst v63  }
0x70: {  	_ =	swait.ge [sflag:s30], $0x10000  }
0x71: {  	p0 =	sne.s32 s0, $0xC;
	[sflag:s30] =	ssyncset.done $0x0  }
.Ltmp0:
0x72: {  	[sflag:s30] =	ssyncadd.s32 $0xFFFF0000;
	(pc) =	sbr.rel @p0 .LBB2_2-.Ltmp0, $4  }
0x73: {  	[hbm4b:s12+s2] =	stream.linear.scatter [tilespmem:s14], [sflag:$0x2], $0x10000, $0x38;
	[tilespmem:$0x10080] =	vst v63  }
0x74: {  	_ =	swait.ge [sflag:s13], $0x10000  }
0x75: {  	[sflag:s13] =	ssyncset.done $0x0  }
0x76: {  	s0 =	sadd.s32 $0x4, s0;
	s12 =	sadd.s32 $0x2000, s12;
	[sflag:s13] =	ssyncadd.s32 $0xFFFF0000  }
0x77: {  	s31 =	sadd.s32 $0x1, s31;
	s0 =	rddreg [dreg:$0x14]  }
0x78: {  	p0 =	sne.s32 s31, s0  }
.Ltmp1:
0x79: {  	_ = 	snop;
	(pc) =	sbr.rel @p0 .LBB2_1-.Ltmp1, $1  }
0x7a: {  	_ =	sdelay $0x3  }
0x7b: {  	_ =	sfence.sel $0x180000  }
0x7c: {  	[bflag:$0x0] =	sbarrier.arrive $0xFFFF  }
0x7d: {  	_ =	strace $0x9000004A  }
0x7e: {  	s0 =	stileid.u32;
	[bflag:$0x2] =	sbarrier.arrive $0xFFFF  }
0x7f: {  	p0 =	sne.s32 s0, $0x0;
	s0 =	rddreg [dreg:$0x1]  }
0x80: {  	s0 =	sadd.s32 @!p0 $0x100000, s0  }
0x81: {  	[sflag:s0] =	ssyncadd.tile.s32 @!p0 $0x1;
	_ =	shalt  }
.Lfunc_end2:
_tile_overlayer_lowered:
.L_overlay_start_2:
0x82: {  	(tag) =	ssettag $0x2  }
0x83: {  	s0 =	rddreg [dreg:$0x0];
	s2 =	stileid.u32  }
0x84: {  	s1 =	rddreg [dreg:$0x1];
	p0 =	sne.s32 s2, $0x0  }
0x85: {  	s3 =	rddreg [dreg:$0x2];
	[bflag:$0x3] =	sbarrier.arrive $0xFFFF;
	s2 =	simm.s32 @!p0 $0x1C02  }
0x86: {  	[timem:s3], [sflag:s2] =	dma.local @!p0 [hbm:s0], s1  }
0x87: {  	s0 =	simm.s32 @!p0 $0x2  }
0x88: {  	_ =	swait.ge @!p0 [sflag:s0], s1  }
0x89: {  	s1 =	ssub.s32 @!p0 $0x0, s1;
	[sflag:s0] =	ssyncset.done @!p0 $0x0  }
0x8a: {  	[sflag:s0] =	ssyncadd.s32 @!p0 s1  }
0x8b: {  	[bflag:$0x3] =	sbarrier.arrive $0xFFFF  }
0x8c: {  	_ =	shalt  }

// kernel: kernel.7.cloned.1.call-start
scs
__scs_entry_jumppad:
0x0: {  	(pc) =	sbr.rel $0x88, $3  }
0x1: {  	(tag) =	ssettag $0x0;
	lr =	simm.s32 $0x1  }
0x2: {  	[smem:$0x3F9D] =	sst lr;
	_ =	strace $0xD0000000  }
0x3: {  	_ = 	snop  }
0x4: {  	_ = 	snop  }
0x5: {  	_ = 	snop  }
0x6: {  	_ = 	snop  }
0x7: {  	_ = 	snop  }
__scs_overlays_trampoline_lowered:
0x8: {  	[smem:$0x3FAC] =	sst s0  }
0x9: {  	[smem:$0x3FAD] =	sst s1  }
0xa: {  	[smem:$0x3FAE] =	sst s2  }
0xb: {  	[smem:$0x3FAF] =	sst s3  }
0xc: {  	[smem:$0x3FB0] =	sst s4  }
0xd: {  	[smem:$0x3FB1] =	sst s5  }
0xe: {  	[smem:$0x3FB2] =	sst s6  }
0xf: {  	[smem:$0x3FB3] =	sst s7  }
0x10: {  	[smem:$0x3FB4] =	sst s8  }
0x11: {  	[smem:$0x3FB5] =	sst s9;
	s0 =	simm.s32 @!p0 $0x0  }
0x12: {  	s1 =	sld [smem:$0x3F9B];
	s0 =	simm.s32 @p0 $0x1  }
0x13: {  	[smem:$0x3FB6] =	sst s0;
	s0 =	simm.s32 @!p1 $0x0  }
0x14: {  	s2 =	sld [smem:$0x3F9A];
	s0 =	simm.s32 @p1 $0x1  }
0x15: {  	[smem:$0x3FB7] =	sst s0;
	s0 =	simm.s32 @!p2 $0x0  }
0x16: {  	s3 =	sld [smem:$0x3FDB];
	s0 =	simm.s32 @p2 $0x1  }
0x17: {  	s4 =	simm.s32 $0x1BF5;
	[smem:$0x3FB9] =	sst s0  }
0x18: {  	s0 =	sld [smem:$0x3F9C];
	_ =	swait.ge [sflag:s4], $0x0  }
0x19: {  	s7 =	sld [smem:$0x3F9D]  }
0x1a: {  	s8 =	sadd.s32 $0xFFFFE003, lr  }
0x1b: {  	s9 =	sadd.s32 $0xFFFFFEF7, lr;
	s5 =	simm.s32 $0xFFFFFFFF;
	p2 =	slt.u32 s8, $0xFFFFF086  }
0x1c: {  	p1 =	slt.u32 s9, $0xF7A;
	s5 =	simm.s32 @!p2 $0x0  }
0x1d: {  	s5 =	simm.s32 @p1 $0x1;
	p0 =	seq.s32 s7, s2  }
0x1e: {  	s7 =	smul.u32 @!p0 $0xF7A, s2;
	p2 =	seq.s32 @!p0 s5, $0x0  }
0x1f: {  	s9 =	smul.u32 $0xF7A, s1;
	s8 =	simm.s32 @!p0 $0x1BF5;
	p2 =	por !p2, p0  }
0x20: {  	[sflag:s8] =	ssyncset.s32 @!p0 $0xFFFFF086;
	s6 =	sadd.s32 @!p0 s3, s7;
	s7 =	simm.s32 @!p0 $0x108  }
0x21: {  	s3 =	sadd.s32 s3, s9;
	s6 =	sadd.s32 @!p0 $0x88, s6;
	s7 =	simm.s32 @p2 $0x1082  }
0x22: {  	[simem:s7], [sflag:s8] =	dma.local @!p0 [hbm:s6], $0xF7A  }
0x23: {  	s9 =	sor.u32 $0xD0000000, s2;
	s6 =	simm.s32 $0x108;
	_ =	swait.ge @!p0 [sflag:s8], $0x0  }
0x24: {  	s3 =	sadd.s32 $0x88, s3;
	s6 =	simm.s32 @!p1 $0x1082;
	[sflag:s4] =	ssyncset.s32 $0xFFFFF086  }
0x25: {  	[simem:s6], [sflag:s4] =	dma.local [hbm:s3], $0xF7A  }
0x26: {  	[smem:$0x3F9D] =	sst s1;
	(tag) =	ssettag s2;
	_ =	strace s9  }
0x27: {  	s1 =	sld [smem:$0x3FAD]  }
0x28: {  	s2 =	sld [smem:$0x3FAE]  }
0x29: {  	s4 =	sld [smem:$0x3FB0]  }
0x2a: {  	p0 =	seq.s32 s5, $0x0;
	s5 =	sld [smem:$0x3FB1]  }
0x2b: {  	s6 =	sld [smem:$0x3FB2]  }
0x2c: {  	s7 =	sld [smem:$0x3FB3]  }
0x2d: {  	s3 =	simm.s32 $0x108;
	s8 =	sld [smem:$0x3FB4]  }
0x2e: {  	s3 =	simm.s32 @!p0 $0x1082;
	s9 =	sld [smem:$0x3FB5]  }
0x2f: {  	lr =	sadd.s32 s0, s3;
	s0 =	sld [smem:$0x3FAC]  }
0x30: {  	s3 =	sld [smem:$0x3FAF]  }
0x31: {  	[smem:$0x3FB8] =	sst s10  }
0x32: {  	s10 =	sld [smem:$0x3FB6];
	_ =	sdelay $0x3  }
0x33: {  	p0 =	seq.s32 s10, $0x1;
	s10 =	sld [smem:$0x3FB8];
	_ =	sdelay $0x3  }
0x34: {  	[smem:$0x3FB8] =	sst s10  }
0x35: {  	s10 =	sld [smem:$0x3FB7];
	_ =	sdelay $0x3  }
0x36: {  	p1 =	seq.s32 s10, $0x1;
	s10 =	sld [smem:$0x3FB8];
	_ =	sdelay $0x3  }
0x37: {  	[smem:$0x3FB8] =	sst s10  }
0x38: {  	s10 =	sld [smem:$0x3FB9]  }
0x39: {  	_ = 	snop;
	(pc) =	sbr.ind lr, $3  }
0x3a: {  	_ = 	snop  }
0x3b: {  	_ = 	snop  }
0x3c: {  	p2 =	seq.s32 s10, $0x1;
	s10 =	sld [smem:$0x3FB8]  }
0x3d: {  	_ =	shalt  }
0x3e: {  	_ =	shalt  }
0x3f: {  	_ =	shalt  }
0x40: {  	_ =	shalt  }
0x41: {  	_ =	shalt  }
0x42: {  	_ =	shalt  }
0x43: {  	_ =	shalt  }
0x44: {  	_ =	shalt  }
0x45: {  	_ =	shalt  }
0x46: {  	_ =	shalt  }
0x47: {  	_ =	shalt  }
0x48: {  	_ =	shalt  }
0x49: {  	_ =	shalt  }
0x4a: {  	_ =	shalt  }
0x4b: {  	_ =	shalt  }
0x4c: {  	_ =	shalt  }
0x4d: {  	_ =	shalt  }
0x4e: {  	_ =	shalt  }
0x4f: {  	_ =	shalt  }
0x50: {  	_ =	shalt  }
0x51: {  	_ =	shalt  }
0x52: {  	_ =	shalt  }
0x53: {  	_ =	shalt  }
0x54: {  	_ =	shalt  }
0x55: {  	_ =	shalt  }
0x56: {  	_ =	shalt  }
0x57: {  	_ =	shalt  }
0x58: {  	_ =	shalt  }
0x59: {  	_ =	shalt  }
0x5a: {  	_ =	shalt  }
0x5b: {  	_ =	shalt  }
0x5c: {  	_ =	shalt  }
0x5d: {  	_ =	shalt  }
0x5e: {  	_ =	shalt  }
0x5f: {  	_ =	shalt  }
0x60: {  	_ =	shalt  }
0x61: {  	_ =	shalt  }
0x62: {  	_ =	shalt  }
0x63: {  	_ =	shalt  }
0x64: {  	_ =	shalt  }
0x65: {  	_ =	shalt  }
0x66: {  	_ =	shalt  }
0x67: {  	_ =	shalt  }
0x68: {  	_ =	shalt  }
0x69: {  	_ =	shalt  }
0x6a: {  	_ =	shalt  }
0x6b: {  	_ =	shalt  }
0x6c: {  	_ =	shalt  }
0x6d: {  	_ =	shalt  }
0x6e: {  	_ =	shalt  }
0x6f: {  	_ =	shalt  }
0x70: {  	_ =	shalt  }
0x71: {  	_ =	shalt  }
0x72: {  	_ =	shalt  }
0x73: {  	_ =	shalt  }
0x74: {  	_ =	shalt  }
0x75: {  	_ =	shalt  }
0x76: {  	_ =	shalt  }
0x77: {  	_ =	shalt  }
0x78: {  	_ =	shalt  }
0x79: {  	_ =	shalt  }
0x7a: {  	_ =	shalt  }
0x7b: {  	_ =	shalt  }
0x7c: {  	_ =	shalt  }
0x7d: {  	_ =	shalt  }
0x7e: {  	_ =	shalt  }
0x7f: {  	_ =	shalt  }
0x80: {  	_ =	shalt  }
0x81: {  	_ =	shalt  }
0x82: {  	_ =	shalt  }
0x83: {  	_ =	shalt  }
0x84: {  	_ =	shalt  }
0x85: {  	_ =	shalt  }
0x86: {  	_ =	shalt  }
0x87: {  	_ =	shalt  }
.Lfunc_end0:
.L_simem_size_0:
called_computation_lowered:
.L_overlay_start_0:
0x88: {  	s2 =	sld [smem:$0x3FD9]  }
0x89: {  	s3 =	sld [smem:$0x3FFE];
	_ =	sdelay $0x1  }
0x8a: {  	s1 =	srdreg.scid  }
0x8b: {  	s0 =	sand.u32 $0x1, s1  }
0x8c: {  	s17 =	sshll.u32 s0, $0xA;
	s2 =	sadd.s32 s3, s2  }
0x8d: {  	s2 =	sadd.s32 s2, s17  }
0x8e: {  	[smem:$0x3FC4] =	sst s2  }
0x8f: {  	_ = 	snop  }
0x90: {  	s2 =	sld [smem:$0x3FC9];
	(tm) =	ssettm $0x1  }
0x91: {  	s18 =	sld [smem:$0x3FFB];
	_ =	sdelay $0x3  }
0x92: {  	_ =	strace s18  }
0x93: {  	s3 =	sld [smem:$0x3FFC];
	_ =	sdelay $0x3  }
0x94: {  	_ =	strace s3  }
0x95: {  	s3 =	sld [smem:$0x3FFD];
	_ =	sdelay $0x3  }
0x96: {  	_ =	strace s3  }
0x97: {  	_ =	strace $0x8FFFFFFF  }
0x98: {  	s19 =	sld [smem:$0x3FDB];
	_ =	sdelay $0x1  }
0x99: {  	s4 =	simm.s32 $_scs_section_size  }
0x9a: {  	s5 =	simm.s32 $_size__tile_overlayer_lowered;
	s6 =	simm.s32 $_tile_overlayer_lowered  }
0x9b: {  	s22 =	simm.s32 $0x1BFF;
	s21 =	sshll.u32 s6, $0x1;
	s3 =	sadd.s32 s4, s19  }
0x9c: {  	s7 =	simm.s32 $0x0;
	s20 =	sshll.u32 s5, $0x1;
	s5 =	sadd.s32 s21, s3  }
0x9d: {  	[timem:s7], [sflag:s22] =	dma.local [hbm:s5], s20  }
0x9e: {  	_ =	swait.ge [sflag:s22], s20  }
0x9f: {  	s4 =	ssub.s32 $0x0, s20;
	[sflag:s22] =	ssyncset.done $0x0  }
0xa0: {  	[sflag:s22] =	ssyncadd.s32 s4;
	_ =	sdelay $0x1  }
0xa1: {  	s23 =	simm.s32 $0x1B8B  }
0xa2: {  	_ =	swait.ge [sflag:s23], $0x1  }
0xa3: {  	[sflag:s23] =	ssyncset.done $0x0  }
0xa4: {  	s25 =	simm.s32 $0x1B8E;
	s24 =	sld [smem:$0x3FFE];
	[sflag:s23] =	ssyncadd.s32 $0xFFFFFFFF  }
0xa5: {  	s26 =	simm.s32 $execute0_lowered;
	[smem:$0x3FD2] =	sst s25  }
0xa6: {  	s5 =	sshll.u32 s26, $0x1;
	_ =	strace $0x80000046;
	[dreg:$0x1] =	wrdreg $0xFFFFFFFF  }
0xa7: {  	s28 =	simm.s32 $_size_execute0_lowered;
	s3 =	sadd.s32 s3, s5;
	[dreg:$0x0] =	wrdreg $0x0  }
0xa8: {  	s5 =	sshll.u32 s28, $0x1;
	[dreg:$0x2] =	wrdreg s3  }
0xa9: {  	[dreg:$0x3] =	wrdreg s5  }
0xaa: {  	[dreg:$0x4] =	wrdreg $0xC0  }
0xab: {  	_ =	task [dreg:s7], $0x5FFFF  }
0xac: {  	[dreg:$0x1] =	wrdreg $0xFFFFFFFF  }
0xad: {  	[dreg:$0x0] =	wrdreg $0x60  }
0xae: {  	[dreg:$0x2] =	wrdreg s2  }
0xaf: {  	[dreg:$0x3] =	wrdreg s24  }
0xb0: {  	[dreg:$0x4] =	wrdreg $0x9  }
0xb1: {  	_ =	task.clear_ibuf [dreg:s7], $0x5FFFF;
	_ =	strace $0x90000046  }
0xb2: {  	s29 =	simm.s32 $0x9;
	_ =	strace $0x80000048  }
0xb3: {  	_ =	swait.ge [sflag:s29], $0x1  }
0xb4: {  	[sflag:s29] =	ssyncadd.s32 $0xFFFFFFFF  }
0xb5: {  	_ =	strace $0x90000048  }
0xb6: {  	_ =	sfence  }
0xb7: {  	s30 =	sld [smem:$0x0];
	_ =	sdelay $0x2  }
0xb8: {  	s31 =	sshll.u32 s1, $0xD;
	s1 =	sshrl.u32 s1, $0x2  }
0xb9: {  	s3 =	sand.u32 $0x4000, s31;
	s1 =	sadd.s32 s1, s30  }
0xba: {  	s0 =	sor.u32 s3, s0;
	s1 =	sshll.u32 s1, $0x11  }
0xbb: {  	s0 =	sor.u32 s1, s0  }
0xbc: {  	s0 =	sadd.s32 $0x8F2B, s0  }
0xbd: {  	[sflag:s0] =	ssyncadd.remote.s32 $0x1  }
0xbe: {  	_ =	sfence.sel $0xFFFF  }
0xbf: {  	[dreg:$0x0] =	wrdreg $0xFFFFFFFF;
	(pc) =	sbr.abs _section_cstart, $3  }
0xc0: {  	[dreg:$0x1] =	wrdreg $0xFFFFFFFF  }
0xc1: {  	_ =	task.clear_ibuf [dreg:s7], $0x2FFFF;
	_ =	strace $0x9FFFFFFF  }
0xc2: {  	(tm) =	ssettm $0x7FFFFFFF  }
0xc3: {  	_ =	shalt  }
tec
execute0_lowered:
.L_overlay_start_1:
0x0: {  	(tag) =	ssettag $0x1  }
0x1: {  	s0 =	rddreg [dreg:$0x0]  }
0x2: {  	s1 =	rddreg [dreg:$0x1];
	s2 =	srdreg.scid  }
0x3: {  	s14 =	stileid.u32;
	s15 =	simm.s32 $0x880;
	s16 =	simm.s32 $0x1080  }
0x4: {  	s17 =	simm.s32 $0x1880;
	s18 =	simm.s32 $0x2080;
	s19 =	simm.s32 $0x2880  }
0x5: {  	s20 =	simm.s32 $0x3080;
	s21 =	simm.s32 $0x3880;
	s22 =	simm.s32 $0x4080  }
0x6: {  	s23 =	simm.s32 $0x4880;
	s28 =	simm.s32 $0x6880;
	s29 =	simm.s32 $0x7080  }
0x7: {  	s30 =	simm.s32 $0x7880;
	s31 =	simm.s32 $0x1;
	s11 =	sand.u32 $0x1, s2  }
0x8: {  	s2 =	simm.s32 $0x0;
	s3 =	sshll.u32 s14, $0x7;
	s6 =	sadd.s32 $0x1700, s1  }
0x9: {  	s7 =	sadd.s32 $0x1800, s1;
	s8 =	sadd.s32 $0x1900, s1;
	s9 =	sadd.s32 $0x1A00, s1  }
0xa: {  	s10 =	sadd.s32 $0x1B00, s1;
	s25 =	sshll.u32 s14, $0xF;
	s14 =	simm.s32 $0x2  }
0xb: {  	s4 =	sshll.u32 s11, $0x6;
	[smem:$0x7FF] =	sst s2;
	s24 =	ssub.s32 $0x2, s11  }
0xc: {  	s0 =	sadd.s32 s25, s0;
	s11 =	sshll.u32 s11, $0xE;
	s25 =	simm.s32 $0x5880  }
0xd: {  	s3 =	sor.u32 s4, s3;
	_ =	strace $0x80000047;
	s5 =	sshrl.u32 s24, $0x1  }
0xe: {  	s4 =	sadd.s32 $0x1500, s1;
	s0 =	sadd.s32 s11, s0;
	s3 =	sshrl.u32 s3, $0x3  }
0xf: {  	s13 =	ssub.s32 s24, s5;
	s5 =	sadd.s32 $0x1600, s1;
	[dreg:$0x6] =	wrdreg s0  }
0x10: {  	s24 =	simm.s32 $0x5080;
	s12 =	sadd.s32 s3, s1;
	s13 =	smax.u32 s13, $0x1  }
0x11: {  	v2 =	vlaneseq.u32;
	s0 =	simm.s32 $0x0;
	[dreg:$0x5] =	wrdreg s13;
	s26 =	sadd.s32 $0x1000, s12  }
0x12: {  	vm0 =	vmmov $0xffff;
	v1 =	vshrl.u32 v2, $0x3;
	s3 =	sadd.s32 $0x1400, s1;
	s12 =	sadd.s32 $0x1200, s12;
	[dreg:$0x3] =	wrdreg s26  }
0x13: {  	v0 =	vand.u32 $0x7, v2;
	v2 =	vor.u32 $0x8, v2;
	v1 =	vmul.u32 $0x8, v1;
	s13 =	simm.s32 $0x80;
	[dreg:$0x4] =	wrdreg s12;
	s26 =	simm.s32 $0x6080  }
.LBB2_1:
0x14: {  	s12 =	rddreg [dreg:$0x6];
	s11 =	simm.s32 $0x0  }
.LBB2_2:
0x15: {  	[tilespmem:s13], [sflag:$0x2] =	stream.linear.gather [hbm4b:s12+s2], $0x8000, $0x38;
	[tilespmem:$0x8080] =	vst v63  }
0x16: {  	_ =	swait.ge [sflag:s14], $0x8000  }
0x17: {  	s1 =	rddreg [dreg:$0x4];
	[sflag:s14] =	ssyncset.done $0x0  }
0x18: {  	[sflag:s14] =	ssyncadd.s32 $0xFFFF8000;
	s1 =	sadd.s32 s11, s1  }
0x19: {  	[tilespmem:s2], [sflag:$0x2] =	stream.linear.gather [hbm4b:s1+s2], $0x10, $0x38;
	[tilespmem:$0x8080] =	vst v63  }
0x1a: {  	_ =	swait.ge [sflag:s14], $0x10  }
0x1b: {  	[sflag:s14] =	ssyncset.done $0x0  }
0x1c: {  	[sflag:s14] =	ssyncadd.s32 $0xFFFFFFF0  }
0x1d: {  	v3 =	vld [tilespmem:$0x0];
	_ =	sdelay $0x4  }
0x1e: {  	v4 =	vshll.u32 v3, $0x4  }
0x1f: {  	v3 =	vand.u32 $0x7, v3;
	v4 =	vand.u32 $0xFFFFFF80, v4  }
0x20: {  	v3 =	vor.u32 v3, v4  }
0x21: {  	v4 =	vperm.xlane v3, v0;
	_ =	sdelay $0x1  }
0x22: {  	v4 =	vadd.s32 v1, v4;
	_ =	sdelay $0x4  }
0x23: {  	[hbm4b:s3+s2] =	stream.indirect_vreg.scatter [tilespmem:s13], [sflag:$0x1], $0x80, v4, vm0, $0xb8;
	[tilespmem:$0x8080] =	vst v63  }
0x24: {  	_ = 	snop  }
0x25: {  	[hbm4b:s4+s2] =	stream.indirect_vreg.scatter [tilespmem:s15], [sflag:$0x1], $0x80, v4, vm0, $0xb8;
	[tilespmem:$0x8080] =	vst v63  }
0x26: {  	_ = 	snop  }
0x27: {  	[hbm4b:s5+s2] =	stream.indirect_vreg.scatter [tilespmem:s16], [sflag:$0x1], $0x80, v4, vm0, $0xb8;
	[tilespmem:$0x8080] =	vst v63  }
0x28: {  	_ = 	snop  }
0x29: {  	[hbm4b:s6+s2] =	stream.indirect_vreg.scatter [tilespmem:s17], [sflag:$0x1], $0x80, v4, vm0, $0xb8;
	[tilespmem:$0x8080] =	vst v63  }
0x2a: {  	_ = 	snop  }
0x2b: {  	[hbm4b:s7+s2] =	stream.indirect_vreg.scatter [tilespmem:s18], [sflag:$0x1], $0x80, v4, vm0, $0xb8;
	[tilespmem:$0x8080] =	vst v63  }
0x2c: {  	v3 =	vperm.xlane v3, v2  }
0x2d: {  	[hbm4b:s8+s2] =	stream.indirect_vreg.scatter [tilespmem:s19], [sflag:$0x1], $0x80, v4, vm0, $0xb8;
	[tilespmem:$0x8080] =	vst v63  }
0x2e: {  	v3 =	vadd.s32 v1, v3  }
0x2f: {  	[hbm4b:s9+s2] =	stream.indirect_vreg.scatter [tilespmem:s20], [sflag:$0x1], $0x80, v4, vm0, $0xb8;
	[tilespmem:$0x8080] =	vst v63  }
0x30: {  	_ = 	snop  }
0x31: {  	[hbm4b:s10+s2] =	stream.indirect_vreg.scatter [tilespmem:s21], [sflag:$0x1], $0x80, v4, vm0, $0xb8;
	[tilespmem:$0x8080] =	vst v63  }
0x32: {  	_ = 	snop  }
0x33: {  	[hbm4b:s3+s2] =	stream.indirect_vreg.scatter [tilespmem:s22], [sflag:$0x1], $0x80, v3, vm0, $0xb8;
	[tilespmem:$0x8080] =	vst v63  }
0x34: {  	_ = 	snop  }
0x35: {  	[hbm4b:s4+s2] =	stream.indirect_vreg.scatter [tilespmem:s23], [sflag:$0x1], $0x80, v3, vm0, $0xb8;
	[tilespmem:$0x8080] =	vst v63  }
0x36: {  	_ = 	snop  }
0x37: {  	[hbm4b:s5+s2] =	stream.indirect_vreg.scatter [tilespmem:s24], [sflag:$0x1], $0x80, v3, vm0, $0xb8;
	[tilespmem:$0x8080] =	vst v63  }
0x38: {  	_ = 	snop  }
0x39: {  	[hbm4b:s6+s2] =	stream.indirect_vreg.scatter [tilespmem:s25], [sflag:$0x1], $0x80, v3, vm0, $0xb8;
	[tilespmem:$0x8080] =	vst v63  }
0x3a: {  	_ = 	snop  }
0x3b: {  	[hbm4b:s7+s2] =	stream.indirect_vreg.scatter [tilespmem:s26], [sflag:$0x1], $0x80, v3, vm0, $0xb8;
	[tilespmem:$0x8080] =	vst v63  }
0x3c: {  	_ = 	snop  }
0x3d: {  	[hbm4b:s8+s2] =	stream.indirect_vreg.scatter [tilespmem:s28], [sflag:$0x1], $0x80, v3, vm0, $0xb8;
	[tilespmem:$0x8080] =	vst v63  }
0x3e: {  	_ = 	snop  }
0x3f: {  	[hbm4b:s9+s2] =	stream.indirect_vreg.scatter [tilespmem:s29], [sflag:$0x1], $0x80, v3, vm0, $0xb8;
	[tilespmem:$0x8080] =	vst v63  }
0x40: {  	_ = 	snop  }
0x41: {  	[hbm4b:s10+s2] =	stream.indirect_vreg.scatter [tilespmem:s30], [sflag:$0x1], $0x80, v3, vm0, $0xb8;
	[tilespmem:$0x8080] =	vst v63  }
0x42: {  	_ =	swait.ge [sflag:s31], $0x8000  }
0x43: {  	s1 =	rddreg [dreg:$0x3];
	[sflag:s31] =	ssyncset.done $0x0  }
0x44: {  	[sflag:s31] =	ssyncadd.s32 $0xFFFF8000;
	s1 =	sadd.s32 s11, s1  }
0x45: {  	[tilespmem:s2], [sflag:$0x2] =	stream.linear.gather [hbm4b:s1+s2], $0x10, $0x38;
	[tilespmem:$0x8080] =	vst v63  }
0x46: {  	_ =	swait.ge [sflag:s14], $0x10  }
0x47: {  	[sflag:s14] =	ssyncset.done $0x0  }
0x48: {  	[sflag:s14] =	ssyncadd.s32 $0xFFFFFFF0  }
0x49: {  	v3 =	vld [tilespmem:$0x0];
	_ =	sdelay $0x4  }
0x4a: {  	v63 =	vshll.u32 v3, $0x4  }
0x4b: {  	v3 =	vand.u32 $0x7, v3;
	v4 =	vand.u32 $0xFFFFFF80, v63  }
0x4c: {  	v3 =	vor.u32 v3, v4  }
0x4d: {  	v4 =	vperm.xlane v3, v0;
	_ =	sdelay $0x1  }
0x4e: {  	v4 =	vadd.s32 v1, v4;
	_ =	sdelay $0x4  }
0x4f: {  	[hbm4b:s3+s2] =	stream.indirect_vreg.scatter [tilespmem:s13], [sflag:$0x1], $0x80, v4, vm0, $0xb8;
	[tilespmem:$0x8080] =	vst v63  }
0x50: {  	_ = 	snop  }
0x51: {  	[hbm4b:s4+s2] =	stream.indirect_vreg.scatter [tilespmem:s15], [sflag:$0x1], $0x80, v4, vm0, $0xb8;
	[tilespmem:$0x8080] =	vst v63  }
0x52: {  	_ = 	snop  }
0x53: {  	[hbm4b:s5+s2] =	stream.indirect_vreg.scatter [tilespmem:s16], [sflag:$0x1], $0x80, v4, vm0, $0xb8;
	[tilespmem:$0x8080] =	vst v63  }
0x54: {  	_ = 	snop  }
0x55: {  	[hbm4b:s6+s2] =	stream.indirect_vreg.scatter [tilespmem:s17], [sflag:$0x1], $0x80, v4, vm0, $0xb8;
	[tilespmem:$0x8080] =	vst v63  }
0x56: {  	_ = 	snop  }
0x57: {  	[hbm4b:s7+s2] =	stream.indirect_vreg.scatter [tilespmem:s18], [sflag:$0x1], $0x80, v4, vm0, $0xb8;
	[tilespmem:$0x8080] =	vst v63  }
0x58: {  	v3 =	vperm.xlane v3, v2  }
0x59: {  	[hbm4b:s8+s2] =	stream.indirect_vreg.scatter [tilespmem:s19], [sflag:$0x1], $0x80, v4, vm0, $0xb8;
	[tilespmem:$0x8080] =	vst v63  }
0x5a: {  	v3 =	vadd.s32 v1, v3  }
0x5b: {  	[hbm4b:s9+s2] =	stream.indirect_vreg.scatter [tilespmem:s20], [sflag:$0x1], $0x80, v4, vm0, $0xb8;
	[tilespmem:$0x8080] =	vst v63  }
0x5c: {  	_ = 	snop  }
0x5d: {  	[hbm4b:s10+s2] =	stream.indirect_vreg.scatter [tilespmem:s21], [sflag:$0x1], $0x80, v4, vm0, $0xb8;
	[tilespmem:$0x8080] =	vst v63  }
0x5e: {  	_ = 	snop  }
0x5f: {  	[hbm4b:s3+s2] =	stream.indirect_vreg.scatter [tilespmem:s22], [sflag:$0x1], $0x80, v3, vm0, $0xb8;
	[tilespmem:$0x8080] =	vst v63  }
0x60: {  	_ = 	snop  }
0x61: {  	[hbm4b:s4+s2] =	stream.indirect_vreg.scatter [tilespmem:s23], [sflag:$0x1], $0x80, v3, vm0, $0xb8;
	[tilespmem:$0x8080] =	vst v63  }
0x62: {  	_ = 	snop  }
0x63: {  	[hbm4b:s5+s2] =	stream.indirect_vreg.scatter [tilespmem:s24], [sflag:$0x1], $0x80, v3, vm0, $0xb8;
	[tilespmem:$0x8080] =	vst v63  }
0x64: {  	_ = 	snop  }
0x65: {  	[hbm4b:s6+s2] =	stream.indirect_vreg.scatter [tilespmem:s25], [sflag:$0x1], $0x80, v3, vm0, $0xb8;
	[tilespmem:$0x8080] =	vst v63  }
0x66: {  	_ = 	snop  }
0x67: {  	[hbm4b:s7+s2] =	stream.indirect_vreg.scatter [tilespmem:s26], [sflag:$0x1], $0x80, v3, vm0, $0xb8;
	[tilespmem:$0x8080] =	vst v63  }
0x68: {  	_ = 	snop  }
0x69: {  	[hbm4b:s8+s2] =	stream.indirect_vreg.scatter [tilespmem:s28], [sflag:$0x1], $0x80, v3, vm0, $0xb8;
	[tilespmem:$0x8080] =	vst v63  }
0x6a: {  	p0 =	sne.s32 s11, $0x6  }
0x6b: {  	[hbm4b:s9+s2] =	stream.indirect_vreg.scatter [tilespmem:s29], [sflag:$0x1], $0x80, v3, vm0, $0xb8;
	[tilespmem:$0x8080] =	vst v63  }
.Ltmp0:
0x6c: {  	_ = 	snop;
	(pc) =	sbr.rel @p0 .LBB2_2-.Ltmp0, $4  }
0x6d: {  	[hbm4b:s10+s2] =	stream.indirect_vreg.scatter [tilespmem:s30], [sflag:$0x1], $0x80, v3, vm0, $0xb8;
	[tilespmem:$0x8080] =	vst v63  }
0x6e: {  	_ =	swait.ge [sflag:s31], $0x8000  }
0x6f: {  	[sflag:s31] =	ssyncset.done $0x0  }
0x70: {  	s12 =	sadd.s32 $0x1000, s12;
	s11 =	sadd.s32 $0x2, s11;
	[sflag:s31] =	ssyncadd.s32 $0xFFFF8000  }
0x71: {  	s0 =	sadd.s32 $0x1, s0;
	s1 =	rddreg [dreg:$0x5]  }
0x72: {  	p0 =	sne.s32 s0, s1  }
.Ltmp1:
0x73: {  	_ = 	snop;
	(pc) =	sbr.rel @p0 .LBB2_1-.Ltmp1, $1  }
0x74: {  	_ =	sdelay $0x3  }
0x75: {  	_ =	sfence.sel $0x180000  }
0x76: {  	[bflag:$0x0] =	sbarrier.arrive $0xFFFF  }
0x77: {  	_ =	strace $0x90000047  }
0x78: {  	s0 =	stileid.u32;
	[bflag:$0x2] =	sbarrier.arrive $0xFFFF  }
0x79: {  	p0 =	sne.s32 s0, $0x0;
	s0 =	rddreg [dreg:$0x2]  }
0x7a: {  	s0 =	sadd.s32 @!p0 $0x100000, s0  }
0x7b: {  	[sflag:s0] =	ssyncadd.tile.s32 @!p0 $0x1;
	_ =	shalt  }
.Lfunc_end2:
_tile_overlayer_lowered:
.L_overlay_start_2:
0x7c: {  	(tag) =	ssettag $0x2  }
0x7d: {  	s0 =	rddreg [dreg:$0x0];
	s2 =	stileid.u32  }
0x7e: {  	s1 =	rddreg [dreg:$0x1];
	p0 =	sne.s32 s2, $0x0  }
0x7f: {  	s3 =	rddreg [dreg:$0x2];
	[bflag:$0x3] =	sbarrier.arrive $0xFFFF;
	s2 =	simm.s32 @!p0 $0x1C02  }
0x80: {  	[timem:s3], [sflag:s2] =	dma.local @!p0 [hbm:s0], s1  }
0x81: {  	s0 =	simm.s32 @!p0 $0x2  }
0x82: {  	_ =	swait.ge @!p0 [sflag:s0], s1  }
0x83: {  	s1 =	ssub.s32 @!p0 $0x0, s1;
	[sflag:s0] =	ssyncset.done @!p0 $0x0  }
0x84: {  	[sflag:s0] =	ssyncadd.s32 @!p0 s1  }
0x85: {  	[bflag:$0x3] =	sbarrier.arrive $0xFFFF  }
0x86: {  	_ =	shalt  }

</sc_bundles>
